<compile_context>
chip_gen: v7x
topology: tpu7x:2x2x1
jax: 0.10.2.dev20260603
libtpu: 0.0.44.dev20260713+nightly
codegen_flags: <defaults>
</compile_context>

<pallas_src>
import functools

import jax
import jax.numpy as jnp
from jax import lax
from jax.experimental import pallas as pl
from jax.experimental.pallas import tpu as pltpu
from jax.experimental.pallas import tpu_sc as plsc

D = 64
CHUNK = 128
K = 5
NBUF = 2


@functools.cache
def _make_gather(n_rows):
    info = plsc.get_sparse_core_info()
    nw = info.num_cores * info.num_subcores
    rows_per_w = n_rows // nw
    n_chunks = rows_per_w // CHUNK
    n_super = n_chunks // K
    s_rows = K * CHUNK
    assert n_super * K == n_chunks and n_chunks * CHUNK * nw == n_rows
    assert n_super % NBUF == 0 and n_super >= 2 * NBUF

    mesh = plsc.VectorSubcoreMesh(core_axis_name="c", subcore_axis_name="s")

    @functools.partial(
        pl.kernel,
        mesh=mesh,
        out_type=jax.ShapeDtypeStruct((n_rows, D), jnp.float32),
        scratch_types=[
            pltpu.VMEM((n_chunks, CHUNK), jnp.int32),
            pltpu.VMEM((NBUF, s_rows, D), jnp.float32),
            pltpu.SemaphoreType.DMA,
            pltpu.SemaphoreType.DMA,
            pltpu.SemaphoreType.DMA,
            pltpu.SemaphoreType.DMA,
        ],
        compiler_params=pltpu.CompilerParams(use_tc_tiling_on_sc=False),
    )
    def gather(idx_hbm, table_hbm, out_hbm, idx_v, rows_v, g0, g1, s0_, s1_):
        gsems = (g0, g1)
        ssems = (s0_, s1_)
        wid = lax.axis_index("s") * info.num_cores + lax.axis_index("c")
        pltpu.sync_copy(idx_hbm.at[wid], idx_v)
        base = wid * rows_per_w

        def fire_gathers(s, b):
            for j in range(K):
                pltpu.async_copy(
                    table_hbm.at[idx_v.at[s * K + j]],
                    rows_v.at[b].at[pl.ds(j * CHUNK, CHUNK)],
                    gsems[b],
                )

        def drain_gathers(s, b):
            for j in range(K):
                pltpu.make_async_copy(
                    table_hbm.at[idx_v.at[s * K + j]],
                    rows_v.at[b].at[pl.ds(j * CHUNK, CHUNK)],
                    gsems[b],
                ).wait()

        def fire_store(s, b):
            row0 = pl.multiple_of(base + s * s_rows, CHUNK)
            pltpu.async_copy(rows_v.at[b], out_hbm.at[pl.ds(row0, s_rows)], ssems[b])

        def drain_store(s, b):
            row0 = pl.multiple_of(base + s * s_rows, CHUNK)
            pltpu.make_async_copy(
                rows_v.at[b], out_hbm.at[pl.ds(row0, s_rows)], ssems[b]
            ).wait()

        fire_gathers(0, 0)

        @pl.loop(0, n_super, step=NBUF)
        def _(sg):
            for b in range(NBUF):
                s = sg + b
                drain_gathers(s, b)
                if b == 1:
                    drain_store(s - 1, b ^ 1)
                else:

                    @pl.when(sg >= 1)
                    def _():
                        drain_store(s - 1, b ^ 1)

                fire_store(s, b)
                if b == 0:
                    fire_gathers(s + 1, b ^ 1)
                else:

                    @pl.when(s + 1 < n_super)
                    def _():
                        fire_gathers(s + 1, b ^ 1)

        drain_store(n_super - 1, 1)

    return gather


@jax.jit
def kernel(idx, weight):
    b, t = idx.shape
    n = b * t
    info = plsc.get_sparse_core_info()
    nw = info.num_cores * info.num_subcores
    idx3 = idx.reshape(nw, n // (nw * CHUNK), CHUNK).astype(jnp.int32)
    out = _make_gather(n)(idx3, weight)
    return out.reshape(b, t, weight.shape[1])

# --- scband reference (transcript-rebuilt; emitter-appended) ---
"""Pipeline reference for scband-time-embedding-37374805410593 (READ-ONLY COPY).

The authoritative reference and input builder live on the scoring server;
editing this copy changes nothing except your own understanding.
"""

import jax, jax.numpy as jnp
import numpy as np

VOCAB_SIZE = 1000000
WORDVEC_SIZE = 64
T = 50
BATCH = 4096

def setup_inputs(seed: int = 0) -> dict:
    key = jax.random.key(seed)
    k1, k2 = jax.random.split(key)
    idx = jax.random.randint(k1, (BATCH, T), 0, VOCAB_SIZE, dtype=jnp.int64 if jax.config.jax_enable_x64 else jnp.int32)
    weight = jax.random.normal(k2, (VOCAB_SIZE, WORDVEC_SIZE), dtype=jnp.float32)
    return {"idx": idx, "weight": weight}

def reference(idx, weight):
    # TimeEmbedding: for each timestep t, out[:, t, :] = weight[idx[:, t]]
    # Equivalent to a gather over the full [B, T] index tensor.
    out = jnp.take(weight, idx, axis=0)  # [B, T, D]
    return out

if __name__ == "__main__":
    import jax
    _d = setup_inputs()
    print(jax.jit(kernel)(*tuple(_d.values())))

</pallas_src>

<mosaic_0001>
#map = affine_map<(d0, d1) -> (0, 0, 0)>
#map1 = affine_map<(d0, d1) -> (0, 0)>
module attributes {stable_mosaic.version = 14 : i64} {
  func.func @gather(%arg0: i32, %arg1: i32, %arg2: memref<32x50x128xi32, #tpu.memory_space<hbm>>, %arg3: memref<1000000x64xf32, #tpu.memory_space<hbm>>, %arg4: memref<204800x64xf32, #tpu.memory_space<hbm>>, %arg5: memref<50x128xi32, #tpu.memory_space<vmem>>, %arg6: memref<2x640x64xf32, #tpu.memory_space<vmem>>, %arg7: memref<!tpu.dma_semaphore, #tpu.memory_space<semaphore_mem>>, %arg8: memref<!tpu.dma_semaphore, #tpu.memory_space<semaphore_mem>>, %arg9: memref<!tpu.dma_semaphore, #tpu.memory_space<semaphore_mem>>, %arg10: memref<!tpu.dma_semaphore, #tpu.memory_space<semaphore_mem>>) attributes {dimension_semantics = [#tpu.dimension_semantics<core_parallel>, #tpu.dimension_semantics<subcore_parallel>], iteration_bounds = array<i64: 2, 16>, scalar_prefetch = 0 : i64, scratch_operands = 6 : i64, tpu.core_type = #tpu.core_type<sc_vector_subcore>, window_params = [{transform_indices = #map}, {transform_indices = #map1}, {transform_indices = #map1}]} {
    %mul3A = arith.constant 2 : i32
    %mul3A_0 = arith.muli %arg1, %mul3A : i32
    %add3A = arith.addi %mul3A_0, %arg0 : i32
    "tpu.region"() ({
      %run_scoped3A = tpu.sem_alloc : memref<!tpu.dma_semaphore, #tpu.memory_space<semaphore_mem>>
      %dma_start3A_95 = arith.constant 0 : i32
      %dma_start3A_96 = arith.constant 0 : i32
      %dma_start3A_97 = tpu.memref_slice %arg2[%add3A, %dma_start3A_95, %dma_start3A_96] : memref<32x50x128xi32, #tpu.memory_space<hbm>> -> memref<1x50x128xi32, #tpu.memory_space<hbm>>
      %dma_start3A_98 = tpu.memref_squeeze %dma_start3A_97 : memref<1x50x128xi32, #tpu.memory_space<hbm>> -> memref<50x128xi32, #tpu.memory_space<hbm>>
      %dma_start3A_99 = arith.constant 0 : i32
      %dma_start3A_100 = arith.constant 0 : i32
      %dma_start3A_101 = tpu.memref_slice %arg2[%add3A, %dma_start3A_99, %dma_start3A_100] : memref<32x50x128xi32, #tpu.memory_space<hbm>> -> memref<1x50x128xi32, #tpu.memory_space<hbm>>
      %dma_start3A_102 = tpu.memref_squeeze %dma_start3A_101 : memref<1x50x128xi32, #tpu.memory_space<hbm>> -> memref<50x128xi32, #tpu.memory_space<hbm>>
      tpu.enqueue_dma source(%dma_start3A_102 : memref<50x128xi32, #tpu.memory_space<hbm>>) target(%arg5 : memref<50x128xi32, #tpu.memory_space<vmem>>) target_semaphore(%run_scoped3A : memref<!tpu.dma_semaphore, #tpu.memory_space<semaphore_mem>>)
      %dma_wait3A_103 = arith.constant 0 : i32
      %dma_wait3A_104 = arith.constant 0 : i32
      %dma_wait3A_105 = tpu.memref_slice %arg2[%add3A, %dma_wait3A_103, %dma_wait3A_104] : memref<32x50x128xi32, #tpu.memory_space<hbm>> -> memref<1x50x128xi32, #tpu.memory_space<hbm>>
      %dma_wait3A_106 = tpu.memref_squeeze %dma_wait3A_105 : memref<1x50x128xi32, #tpu.memory_space<hbm>> -> memref<50x128xi32, #tpu.memory_space<hbm>>
      %dma_wait3A_107 = arith.constant 0 : i32
      %dma_wait3A_108 = arith.constant 0 : i32
      %dma_wait3A_109 = tpu.memref_slice %arg2[%add3A, %dma_wait3A_107, %dma_wait3A_108] : memref<32x50x128xi32, #tpu.memory_space<hbm>> -> memref<1x50x128xi32, #tpu.memory_space<hbm>>
      %dma_wait3A_110 = tpu.memref_squeeze %dma_wait3A_109 : memref<1x50x128xi32, #tpu.memory_space<hbm>> -> memref<50x128xi32, #tpu.memory_space<hbm>>
      tpu.wait_dma2 semaphore(%run_scoped3A : memref<!tpu.dma_semaphore, #tpu.memory_space<semaphore_mem>>) src(%dma_wait3A_110 : memref<50x128xi32, #tpu.memory_space<hbm>>) dst(%arg5 : memref<50x128xi32, #tpu.memory_space<vmem>>)
      tpu.yield
    }) : () -> ()
    %mul3A_1 = arith.constant 6400 : i32
    %mul3A_2 = arith.muli %add3A, %mul3A_1 : i32
    %dma_start3A = arith.constant 0 : i32
    %dma_start3A_3 = arith.constant 0 : i32
    %dma_start3A_4 = arith.constant 0 : i32
    %dma_start3A_5 = arith.constant 0 : i32
    %dma_start3A_6 = tpu.memref_slice %arg6[%dma_start3A_3, %dma_start3A_4, %dma_start3A_5] : memref<2x640x64xf32, #tpu.memory_space<vmem>> -> memref<1x640x64xf32, #tpu.memory_space<vmem>>
    %dma_start3A_7 = tpu.memref_squeeze %dma_start3A_6 : memref<1x640x64xf32, #tpu.memory_space<vmem>> -> memref<640x64xf32, #tpu.memory_space<vmem>>
    %dma_start3A_8 = arith.constant 0 : i32
    %dma_start3A_9 = arith.constant 0 : i32
    %dma_start3A_10 = tpu.memref_slice %dma_start3A_7[%dma_start3A_8, %dma_start3A_9] : memref<640x64xf32, #tpu.memory_space<vmem>> -> memref<128x64xf32, #tpu.memory_space<vmem>>
    %dma_start3A_11 = arith.constant 0 : i32
    %dma_start3A_12 = tpu.memref_slice %arg5[%dma_start3A, %dma_start3A_11] : memref<50x128xi32, #tpu.memory_space<vmem>> -> memref<1x128xi32, #tpu.memory_space<vmem>>
    %dma_start3A_13 = tpu.memref_squeeze %dma_start3A_12 : memref<1x128xi32, #tpu.memory_space<vmem>> -> memref<128xi32, #tpu.memory_space<vmem>>
    %dma_start3A_14 = arith.constant 0 : i32
    %dma_start3A_15 = arith.constant 0 : i32
    %dma_start3A_16 = tpu.memref_slice %arg3[%dma_start3A_14, %dma_start3A_15] : memref<1000000x64xf32, #tpu.memory_space<hbm>> -> memref<1000000x64xf32, #tpu.memory_space<hbm>>
    tpu.enqueue_indirect_dma source(%dma_start3A_16 : memref<1000000x64xf32, #tpu.memory_space<hbm>>) target(%dma_start3A_10 : memref<128x64xf32, #tpu.memory_space<vmem>>) offsets(%dma_start3A_13 : memref<128xi32, #tpu.memory_space<vmem>>) semaphore(%arg7 : memref<!tpu.dma_semaphore, #tpu.memory_space<semaphore_mem>>)
    %dma_start3A_17 = arith.constant 1 : i32
    %dma_start3A_18 = arith.constant 0 : i32
    %dma_start3A_19 = arith.constant 0 : i32
    %dma_start3A_20 = arith.constant 0 : i32
    %dma_start3A_21 = tpu.memref_slice %arg6[%dma_start3A_18, %dma_start3A_19, %dma_start3A_20] : memref<2x640x64xf32, #tpu.memory_space<vmem>> -> memref<1x640x64xf32, #tpu.memory_space<vmem>>
    %dma_start3A_22 = tpu.memref_squeeze %dma_start3A_21 : memref<1x640x64xf32, #tpu.memory_space<vmem>> -> memref<640x64xf32, #tpu.memory_space<vmem>>
    %dma_start3A_23 = arith.constant 128 : i32
    %dma_start3A_24 = arith.constant 0 : i32
    %dma_start3A_25 = tpu.memref_slice %dma_start3A_22[%dma_start3A_23, %dma_start3A_24] : memref<640x64xf32, #tpu.memory_space<vmem>> -> memref<128x64xf32, #tpu.memory_space<vmem>>
    %dma_start3A_26 = arith.constant 0 : i32
    %dma_start3A_27 = tpu.memref_slice %arg5[%dma_start3A_17, %dma_start3A_26] : memref<50x128xi32, #tpu.memory_space<vmem>> -> memref<1x128xi32, #tpu.memory_space<vmem>>
    %dma_start3A_28 = tpu.memref_squeeze %dma_start3A_27 : memref<1x128xi32, #tpu.memory_space<vmem>> -> memref<128xi32, #tpu.memory_space<vmem>>
    %dma_start3A_29 = arith.constant 0 : i32
    %dma_start3A_30 = arith.constant 0 : i32
    %dma_start3A_31 = tpu.memref_slice %arg3[%dma_start3A_29, %dma_start3A_30] : memref<1000000x64xf32, #tpu.memory_space<hbm>> -> memref<1000000x64xf32, #tpu.memory_space<hbm>>
    tpu.enqueue_indirect_dma source(%dma_start3A_31 : memref<1000000x64xf32, #tpu.memory_space<hbm>>) target(%dma_start3A_25 : memref<128x64xf32, #tpu.memory_space<vmem>>) offsets(%dma_start3A_28 : memref<128xi32, #tpu.memory_space<vmem>>) semaphore(%arg7 : memref<!tpu.dma_semaphore, #tpu.memory_space<semaphore_mem>>)
    %dma_start3A_32 = arith.constant 2 : i32
    %dma_start3A_33 = arith.constant 0 : i32
    %dma_start3A_34 = arith.constant 0 : i32
    %dma_start3A_35 = arith.constant 0 : i32
    %dma_start3A_36 = tpu.memref_slice %arg6[%dma_start3A_33, %dma_start3A_34, %dma_start3A_35] : memref<2x640x64xf32, #tpu.memory_space<vmem>> -> memref<1x640x64xf32, #tpu.memory_space<vmem>>
    %dma_start3A_37 = tpu.memref_squeeze %dma_start3A_36 : memref<1x640x64xf32, #tpu.memory_space<vmem>> -> memref<640x64xf32, #tpu.memory_space<vmem>>
    %dma_start3A_38 = arith.constant 256 : i32
    %dma_start3A_39 = arith.constant 0 : i32
    %dma_start3A_40 = tpu.memref_slice %dma_start3A_37[%dma_start3A_38, %dma_start3A_39] : memref<640x64xf32, #tpu.memory_space<vmem>> -> memref<128x64xf32, #tpu.memory_space<vmem>>
    %dma_start3A_41 = arith.constant 0 : i32
    %dma_start3A_42 = tpu.memref_slice %arg5[%dma_start3A_32, %dma_start3A_41] : memref<50x128xi32, #tpu.memory_space<vmem>> -> memref<1x128xi32, #tpu.memory_space<vmem>>
    %dma_start3A_43 = tpu.memref_squeeze %dma_start3A_42 : memref<1x128xi32, #tpu.memory_space<vmem>> -> memref<128xi32, #tpu.memory_space<vmem>>
    %dma_start3A_44 = arith.constant 0 : i32
    %dma_start3A_45 = arith.constant 0 : i32
    %dma_start3A_46 = tpu.memref_slice %arg3[%dma_start3A_44, %dma_start3A_45] : memref<1000000x64xf32, #tpu.memory_space<hbm>> -> memref<1000000x64xf32, #tpu.memory_space<hbm>>
    tpu.enqueue_indirect_dma source(%dma_start3A_46 : memref<1000000x64xf32, #tpu.memory_space<hbm>>) target(%dma_start3A_40 : memref<128x64xf32, #tpu.memory_space<vmem>>) offsets(%dma_start3A_43 : memref<128xi32, #tpu.memory_space<vmem>>) semaphore(%arg7 : memref<!tpu.dma_semaphore, #tpu.memory_space<semaphore_mem>>)
    %dma_start3A_47 = arith.constant 3 : i32
    %dma_start3A_48 = arith.constant 0 : i32
    %dma_start3A_49 = arith.constant 0 : i32
    %dma_start3A_50 = arith.constant 0 : i32
    %dma_start3A_51 = tpu.memref_slice %arg6[%dma_start3A_48, %dma_start3A_49, %dma_start3A_50] : memref<2x640x64xf32, #tpu.memory_space<vmem>> -> memref<1x640x64xf32, #tpu.memory_space<vmem>>
    %dma_start3A_52 = tpu.memref_squeeze %dma_start3A_51 : memref<1x640x64xf32, #tpu.memory_space<vmem>> -> memref<640x64xf32, #tpu.memory_space<vmem>>
    %dma_start3A_53 = arith.constant 384 : i32
    %dma_start3A_54 = arith.constant 0 : i32
    %dma_start3A_55 = tpu.memref_slice %dma_start3A_52[%dma_start3A_53, %dma_start3A_54] : memref<640x64xf32, #tpu.memory_space<vmem>> -> memref<128x64xf32, #tpu.memory_space<vmem>>
    %dma_start3A_56 = arith.constant 0 : i32
    %dma_start3A_57 = tpu.memref_slice %arg5[%dma_start3A_47, %dma_start3A_56] : memref<50x128xi32, #tpu.memory_space<vmem>> -> memref<1x128xi32, #tpu.memory_space<vmem>>
    %dma_start3A_58 = tpu.memref_squeeze %dma_start3A_57 : memref<1x128xi32, #tpu.memory_space<vmem>> -> memref<128xi32, #tpu.memory_space<vmem>>
    %dma_start3A_59 = arith.constant 0 : i32
    %dma_start3A_60 = arith.constant 0 : i32
    %dma_start3A_61 = tpu.memref_slice %arg3[%dma_start3A_59, %dma_start3A_60] : memref<1000000x64xf32, #tpu.memory_space<hbm>> -> memref<1000000x64xf32, #tpu.memory_space<hbm>>
    tpu.enqueue_indirect_dma source(%dma_start3A_61 : memref<1000000x64xf32, #tpu.memory_space<hbm>>) target(%dma_start3A_55 : memref<128x64xf32, #tpu.memory_space<vmem>>) offsets(%dma_start3A_58 : memref<128xi32, #tpu.memory_space<vmem>>) semaphore(%arg7 : memref<!tpu.dma_semaphore, #tpu.memory_space<semaphore_mem>>)
    %dma_start3A_62 = arith.constant 4 : i32
    %dma_start3A_63 = arith.constant 0 : i32
    %dma_start3A_64 = arith.constant 0 : i32
    %dma_start3A_65 = arith.constant 0 : i32
    %dma_start3A_66 = tpu.memref_slice %arg6[%dma_start3A_63, %dma_start3A_64, %dma_start3A_65] : memref<2x640x64xf32, #tpu.memory_space<vmem>> -> memref<1x640x64xf32, #tpu.memory_space<vmem>>
    %dma_start3A_67 = tpu.memref_squeeze %dma_start3A_66 : memref<1x640x64xf32, #tpu.memory_space<vmem>> -> memref<640x64xf32, #tpu.memory_space<vmem>>
    %dma_start3A_68 = arith.constant 512 : i32
    %dma_start3A_69 = arith.constant 0 : i32
    %dma_start3A_70 = tpu.memref_slice %dma_start3A_67[%dma_start3A_68, %dma_start3A_69] : memref<640x64xf32, #tpu.memory_space<vmem>> -> memref<128x64xf32, #tpu.memory_space<vmem>>
    %dma_start3A_71 = arith.constant 0 : i32
    %dma_start3A_72 = tpu.memref_slice %arg5[%dma_start3A_62, %dma_start3A_71] : memref<50x128xi32, #tpu.memory_space<vmem>> -> memref<1x128xi32, #tpu.memory_space<vmem>>
    %dma_start3A_73 = tpu.memref_squeeze %dma_start3A_72 : memref<1x128xi32, #tpu.memory_space<vmem>> -> memref<128xi32, #tpu.memory_space<vmem>>
    %dma_start3A_74 = arith.constant 0 : i32
    %dma_start3A_75 = arith.constant 0 : i32
    %dma_start3A_76 = tpu.memref_slice %arg3[%dma_start3A_74, %dma_start3A_75] : memref<1000000x64xf32, #tpu.memory_space<hbm>> -> memref<1000000x64xf32, #tpu.memory_space<hbm>>
    tpu.enqueue_indirect_dma source(%dma_start3A_76 : memref<1000000x64xf32, #tpu.memory_space<hbm>>) target(%dma_start3A_70 : memref<128x64xf32, #tpu.memory_space<vmem>>) offsets(%dma_start3A_73 : memref<128xi32, #tpu.memory_space<vmem>>) semaphore(%arg7 : memref<!tpu.dma_semaphore, #tpu.memory_space<semaphore_mem>>)
    %scan3A = arith.constant 0 : i32
    %scan3A_77 = arith.constant 5 : i32
    %scan3A_78 = arith.addi %scan3A, %scan3A_77 : i32
    %scan3A_79 = arith.constant 1 : i32
    scf.for %scan3A_95 = %scan3A to %scan3A_78 step %scan3A_79  : i32 {
      %mul3A_96 = arith.constant 2 : i32
      %mul3A_97 = arith.muli %scan3A_95, %mul3A_96 : i32
      %add3A_98 = arith.constant 0 : i32
      %add3A_99 = arith.addi %add3A_98, %mul3A_97 : i32
      %add3A_100 = arith.constant 0 : i32
      %add3A_101 = arith.addi %add3A_99, %add3A_100 : i32
      %mul3A_102 = arith.constant 5 : i32
      %mul3A_103 = arith.muli %add3A_101, %mul3A_102 : i32
      %add3A_104 = arith.constant 0 : i32
      %add3A_105 = arith.addi %mul3A_103, %add3A_104 : i32
      %dma_wait3A_106 = arith.constant 0 : i32
      %dma_wait3A_107 = arith.constant 0 : i32
      %dma_wait3A_108 = arith.constant 0 : i32
      %dma_wait3A_109 = tpu.memref_slice %arg6[%dma_wait3A_106, %dma_wait3A_107, %dma_wait3A_108] : memref<2x640x64xf32, #tpu.memory_space<vmem>> -> memref<1x640x64xf32, #tpu.memory_space<vmem>>
      %dma_wait3A_110 = tpu.memref_squeeze %dma_wait3A_109 : memref<1x640x64xf32, #tpu.memory_space<vmem>> -> memref<640x64xf32, #tpu.memory_space<vmem>>
      %dma_wait3A_111 = arith.constant 0 : i32
      %dma_wait3A_112 = arith.constant 0 : i32
      %dma_wait3A_113 = tpu.memref_slice %dma_wait3A_110[%dma_wait3A_111, %dma_wait3A_112] : memref<640x64xf32, #tpu.memory_space<vmem>> -> memref<128x64xf32, #tpu.memory_space<vmem>>
      %dma_wait3A_114 = arith.constant 0 : i32
      %dma_wait3A_115 = tpu.memref_slice %arg5[%add3A_105, %dma_wait3A_114] : memref<50x128xi32, #tpu.memory_space<vmem>> -> memref<1x128xi32, #tpu.memory_space<vmem>>
      %dma_wait3A_116 = tpu.memref_squeeze %dma_wait3A_115 : memref<1x128xi32, #tpu.memory_space<vmem>> -> memref<128xi32, #tpu.memory_space<vmem>>
      %dma_wait3A_117 = arith.constant 0 : i32
      %dma_wait3A_118 = arith.constant 0 : i32
      %dma_wait3A_119 = tpu.memref_slice %arg3[%dma_wait3A_117, %dma_wait3A_118] : memref<1000000x64xf32, #tpu.memory_space<hbm>> -> memref<1000000x64xf32, #tpu.memory_space<hbm>>
      tpu.wait_indirect_dma semaphore(%arg7 : memref<!tpu.dma_semaphore, #tpu.memory_space<semaphore_mem>>) src(%dma_wait3A_119 : memref<1000000x64xf32, #tpu.memory_space<hbm>>) dst(%dma_wait3A_113 : memref<128x64xf32, #tpu.memory_space<vmem>>)
      %mul3A_120 = arith.constant 5 : i32
      %mul3A_121 = arith.muli %add3A_101, %mul3A_120 : i32
      %add3A_122 = arith.constant 1 : i32
      %add3A_123 = arith.addi %mul3A_121, %add3A_122 : i32
      %dma_wait3A_124 = arith.constant 0 : i32
      %dma_wait3A_125 = arith.constant 0 : i32
      %dma_wait3A_126 = arith.constant 0 : i32
      %dma_wait3A_127 = tpu.memref_slice %arg6[%dma_wait3A_124, %dma_wait3A_125, %dma_wait3A_126] : memref<2x640x64xf32, #tpu.memory_space<vmem>> -> memref<1x640x64xf32, #tpu.memory_space<vmem>>
      %dma_wait3A_128 = tpu.memref_squeeze %dma_wait3A_127 : memref<1x640x64xf32, #tpu.memory_space<vmem>> -> memref<640x64xf32, #tpu.memory_space<vmem>>
      %dma_wait3A_129 = arith.constant 128 : i32
      %dma_wait3A_130 = arith.constant 0 : i32
      %dma_wait3A_131 = tpu.memref_slice %dma_wait3A_128[%dma_wait3A_129, %dma_wait3A_130] : memref<640x64xf32, #tpu.memory_space<vmem>> -> memref<128x64xf32, #tpu.memory_space<vmem>>
      %dma_wait3A_132 = arith.constant 0 : i32
      %dma_wait3A_133 = tpu.memref_slice %arg5[%add3A_123, %dma_wait3A_132] : memref<50x128xi32, #tpu.memory_space<vmem>> -> memref<1x128xi32, #tpu.memory_space<vmem>>
      %dma_wait3A_134 = tpu.memref_squeeze %dma_wait3A_133 : memref<1x128xi32, #tpu.memory_space<vmem>> -> memref<128xi32, #tpu.memory_space<vmem>>
      %dma_wait3A_135 = arith.constant 0 : i32
      %dma_wait3A_136 = arith.constant 0 : i32
      %dma_wait3A_137 = tpu.memref_slice %arg3[%dma_wait3A_135, %dma_wait3A_136] : memref<1000000x64xf32, #tpu.memory_space<hbm>> -> memref<1000000x64xf32, #tpu.memory_space<hbm>>
      tpu.wait_indirect_dma semaphore(%arg7 : memref<!tpu.dma_semaphore, #tpu.memory_space<semaphore_mem>>) src(%dma_wait3A_137 : memref<1000000x64xf32, #tpu.memory_space<hbm>>) dst(%dma_wait3A_131 : memref<128x64xf32, #tpu.memory_space<vmem>>)
      %mul3A_138 = arith.constant 5 : i32
      %mul3A_139 = arith.muli %add3A_101, %mul3A_138 : i32
      %add3A_140 = arith.constant 2 : i32
      %add3A_141 = arith.addi %mul3A_139, %add3A_140 : i32
      %dma_wait3A_142 = arith.constant 0 : i32
      %dma_wait3A_143 = arith.constant 0 : i32
      %dma_wait3A_144 = arith.constant 0 : i32
      %dma_wait3A_145 = tpu.memref_slice %arg6[%dma_wait3A_142, %dma_wait3A_143, %dma_wait3A_144] : memref<2x640x64xf32, #tpu.memory_space<vmem>> -> memref<1x640x64xf32, #tpu.memory_space<vmem>>
      %dma_wait3A_146 = tpu.memref_squeeze %dma_wait3A_145 : memref<1x640x64xf32, #tpu.memory_space<vmem>> -> memref<640x64xf32, #tpu.memory_space<vmem>>
      %dma_wait3A_147 = arith.constant 256 : i32
      %dma_wait3A_148 = arith.constant 0 : i32
      %dma_wait3A_149 = tpu.memref_slice %dma_wait3A_146[%dma_wait3A_147, %dma_wait3A_148] : memref<640x64xf32, #tpu.memory_space<vmem>> -> memref<128x64xf32, #tpu.memory_space<vmem>>
      %dma_wait3A_150 = arith.constant 0 : i32
      %dma_wait3A_151 = tpu.memref_slice %arg5[%add3A_141, %dma_wait3A_150] : memref<50x128xi32, #tpu.memory_space<vmem>> -> memref<1x128xi32, #tpu.memory_space<vmem>>
      %dma_wait3A_152 = tpu.memref_squeeze %dma_wait3A_151 : memref<1x128xi32, #tpu.memory_space<vmem>> -> memref<128xi32, #tpu.memory_space<vmem>>
      %dma_wait3A_153 = arith.constant 0 : i32
      %dma_wait3A_154 = arith.constant 0 : i32
      %dma_wait3A_155 = tpu.memref_slice %arg3[%dma_wait3A_153, %dma_wait3A_154] : memref<1000000x64xf32, #tpu.memory_space<hbm>> -> memref<1000000x64xf32, #tpu.memory_space<hbm>>
      tpu.wait_indirect_dma semaphore(%arg7 : memref<!tpu.dma_semaphore, #tpu.memory_space<semaphore_mem>>) src(%dma_wait3A_155 : memref<1000000x64xf32, #tpu.memory_space<hbm>>) dst(%dma_wait3A_149 : memref<128x64xf32, #tpu.memory_space<vmem>>)
      %mul3A_156 = arith.constant 5 : i32
      %mul3A_157 = arith.muli %add3A_101, %mul3A_156 : i32
      %add3A_158 = arith.constant 3 : i32
      %add3A_159 = arith.addi %mul3A_157, %add3A_158 : i32
      %dma_wait3A_160 = arith.constant 0 : i32
      %dma_wait3A_161 = arith.constant 0 : i32
      %dma_wait3A_162 = arith.constant 0 : i32
      %dma_wait3A_163 = tpu.memref_slice %arg6[%dma_wait3A_160, %dma_wait3A_161, %dma_wait3A_162] : memref<2x640x64xf32, #tpu.memory_space<vmem>> -> memref<1x640x64xf32, #tpu.memory_space<vmem>>
      %dma_wait3A_164 = tpu.memref_squeeze %dma_wait3A_163 : memref<1x640x64xf32, #tpu.memory_space<vmem>> -> memref<640x64xf32, #tpu.memory_space<vmem>>
      %dma_wait3A_165 = arith.constant 384 : i32
      %dma_wait3A_166 = arith.constant 0 : i32
      %dma_wait3A_167 = tpu.memref_slice %dma_wait3A_164[%dma_wait3A_165, %dma_wait3A_166] : memref<640x64xf32, #tpu.memory_space<vmem>> -> memref<128x64xf32, #tpu.memory_space<vmem>>
      %dma_wait3A_168 = arith.constant 0 : i32
      %dma_wait3A_169 = tpu.memref_slice %arg5[%add3A_159, %dma_wait3A_168] : memref<50x128xi32, #tpu.memory_space<vmem>> -> memref<1x128xi32, #tpu.memory_space<vmem>>
      %dma_wait3A_170 = tpu.memref_squeeze %dma_wait3A_169 : memref<1x128xi32, #tpu.memory_space<vmem>> -> memref<128xi32, #tpu.memory_space<vmem>>
      %dma_wait3A_171 = arith.constant 0 : i32
      %dma_wait3A_172 = arith.constant 0 : i32
      %dma_wait3A_173 = tpu.memref_slice %arg3[%dma_wait3A_171, %dma_wait3A_172] : memref<1000000x64xf32, #tpu.memory_space<hbm>> -> memref<1000000x64xf32, #tpu.memory_space<hbm>>
      tpu.wait_indirect_dma semaphore(%arg7 : memref<!tpu.dma_semaphore, #tpu.memory_space<semaphore_mem>>) src(%dma_wait3A_173 : memref<1000000x64xf32, #tpu.memory_space<hbm>>) dst(%dma_wait3A_167 : memref<128x64xf32, #tpu.memory_space<vmem>>)
      %mul3A_174 = arith.constant 5 : i32
      %mul3A_175 = arith.muli %add3A_101, %mul3A_174 : i32
      %add3A_176 = arith.constant 4 : i32
      %add3A_177 = arith.addi %mul3A_175, %add3A_176 : i32
      %dma_wait3A_178 = arith.constant 0 : i32
      %dma_wait3A_179 = arith.constant 0 : i32
      %dma_wait3A_180 = arith.constant 0 : i32
      %dma_wait3A_181 = tpu.memref_slice %arg6[%dma_wait3A_178, %dma_wait3A_179, %dma_wait3A_180] : memref<2x640x64xf32, #tpu.memory_space<vmem>> -> memref<1x640x64xf32, #tpu.memory_space<vmem>>
      %dma_wait3A_182 = tpu.memref_squeeze %dma_wait3A_181 : memref<1x640x64xf32, #tpu.memory_space<vmem>> -> memref<640x64xf32, #tpu.memory_space<vmem>>
      %dma_wait3A_183 = arith.constant 512 : i32
      %dma_wait3A_184 = arith.constant 0 : i32
      %dma_wait3A_185 = tpu.memref_slice %dma_wait3A_182[%dma_wait3A_183, %dma_wait3A_184] : memref<640x64xf32, #tpu.memory_space<vmem>> -> memref<128x64xf32, #tpu.memory_space<vmem>>
      %dma_wait3A_186 = arith.constant 0 : i32
      %dma_wait3A_187 = tpu.memref_slice %arg5[%add3A_177, %dma_wait3A_186] : memref<50x128xi32, #tpu.memory_space<vmem>> -> memref<1x128xi32, #tpu.memory_space<vmem>>
      %dma_wait3A_188 = tpu.memref_squeeze %dma_wait3A_187 : memref<1x128xi32, #tpu.memory_space<vmem>> -> memref<128xi32, #tpu.memory_space<vmem>>
      %dma_wait3A_189 = arith.constant 0 : i32
      %dma_wait3A_190 = arith.constant 0 : i32
      %dma_wait3A_191 = tpu.memref_slice %arg3[%dma_wait3A_189, %dma_wait3A_190] : memref<1000000x64xf32, #tpu.memory_space<hbm>> -> memref<1000000x64xf32, #tpu.memory_space<hbm>>
      tpu.wait_indirect_dma semaphore(%arg7 : memref<!tpu.dma_semaphore, #tpu.memory_space<semaphore_mem>>) src(%dma_wait3A_191 : memref<1000000x64xf32, #tpu.memory_space<hbm>>) dst(%dma_wait3A_185 : memref<128x64xf32, #tpu.memory_space<vmem>>)
      %ge3A = arith.constant 1 : i32
      %ge3A_192 = arith.cmpi sge, %add3A_99, %ge3A : i32
      %convert_element_type3A = arith.extui %ge3A_192 : i1 to i32
      %cond3A = arith.constant 0 : i32
      %cond3A_193 = arith.cmpi ne, %convert_element_type3A, %cond3A : i32
      scf.if %cond3A_193 {
        %sub3A_436 = arith.constant 1 : i32
        %sub3A_437 = arith.subi %add3A_101, %sub3A_436 : i32
        %mul3A_438 = arith.constant 640 : i32
        %mul3A_439 = arith.muli %sub3A_437, %mul3A_438 : i32
        %add3A_440 = arith.addi %mul3A_2, %mul3A_439 : i32
        %multiple_of3A_441 = tpu.assume_multiple %add3A_440, 128 : i32
        %dma_wait3A_442 = arith.constant 1 : i32
        %dma_wait3A_443 = arith.constant 0 : i32
        %dma_wait3A_444 = arith.constant 0 : i32
        %dma_wait3A_445 = tpu.memref_slice %arg6[%dma_wait3A_442, %dma_wait3A_443, %dma_wait3A_444] : memref<2x640x64xf32, #tpu.memory_space<vmem>> -> memref<1x640x64xf32, #tpu.memory_space<vmem>>
        %dma_wait3A_446 = tpu.memref_squeeze %dma_wait3A_445 : memref<1x640x64xf32, #tpu.memory_space<vmem>> -> memref<640x64xf32, #tpu.memory_space<vmem>>
        %dma_wait3A_447 = arith.constant 0 : i32
        %dma_wait3A_448 = tpu.memref_slice %arg4[%multiple_of3A_441, %dma_wait3A_447] : memref<204800x64xf32, #tpu.memory_space<hbm>> -> memref<640x64xf32, #tpu.memory_space<hbm>>
        %dma_wait3A_449 = arith.constant 0 : i32
        %dma_wait3A_450 = tpu.memref_slice %arg4[%multiple_of3A_441, %dma_wait3A_449] : memref<204800x64xf32, #tpu.memory_space<hbm>> -> memref<640x64xf32, #tpu.memory_space<hbm>>
        %dma_wait3A_451 = arith.constant 0 : i32
        %dma_wait3A_452 = arith.constant 0 : i32
        %dma_wait3A_453 = tpu.memref_slice %arg6[%dma_wait3A_442, %dma_wait3A_451, %dma_wait3A_452] : memref<2x640x64xf32, #tpu.memory_space<vmem>> -> memref<1x640x64xf32, #tpu.memory_space<vmem>>
        %dma_wait3A_454 = tpu.memref_squeeze %dma_wait3A_453 : memref<1x640x64xf32, #tpu.memory_space<vmem>> -> memref<640x64xf32, #tpu.memory_space<vmem>>
        tpu.wait_dma2 semaphore(%arg10 : memref<!tpu.dma_semaphore, #tpu.memory_space<semaphore_mem>>) src(%dma_wait3A_454 : memref<640x64xf32, #tpu.memory_space<vmem>>) dst(%dma_wait3A_450 : memref<640x64xf32, #tpu.memory_space<hbm>>)
      } else {
      }
      %mul3A_194 = arith.constant 640 : i32
      %mul3A_195 = arith.muli %add3A_101, %mul3A_194 : i32
      %add3A_196 = arith.addi %mul3A_2, %mul3A_195 : i32
      %multiple_of3A_197 = tpu.assume_multiple %add3A_196, 128 : i32
      %dma_start3A_198 = arith.constant 0 : i32
      %dma_start3A_199 = arith.constant 0 : i32
      %dma_start3A_200 = arith.constant 0 : i32
      %dma_start3A_201 = tpu.memref_slice %arg6[%dma_start3A_198, %dma_start3A_199, %dma_start3A_200] : memref<2x640x64xf32, #tpu.memory_space<vmem>> -> memref<1x640x64xf32, #tpu.memory_space<vmem>>
      %dma_start3A_202 = tpu.memref_squeeze %dma_start3A_201 : memref<1x640x64xf32, #tpu.memory_space<vmem>> -> memref<640x64xf32, #tpu.memory_space<vmem>>
      %dma_start3A_203 = arith.constant 0 : i32
      %dma_start3A_204 = tpu.memref_slice %arg4[%multiple_of3A_197, %dma_start3A_203] : memref<204800x64xf32, #tpu.memory_space<hbm>> -> memref<640x64xf32, #tpu.memory_space<hbm>>
      %dma_start3A_205 = arith.constant 0 : i32
      %dma_start3A_206 = tpu.memref_slice %arg4[%multiple_of3A_197, %dma_start3A_205] : memref<204800x64xf32, #tpu.memory_space<hbm>> -> memref<640x64xf32, #tpu.memory_space<hbm>>
      %dma_start3A_207 = arith.constant 0 : i32
      %dma_start3A_208 = arith.constant 0 : i32
      %dma_start3A_209 = tpu.memref_slice %arg6[%dma_start3A_198, %dma_start3A_207, %dma_start3A_208] : memref<2x640x64xf32, #tpu.memory_space<vmem>> -> memref<1x640x64xf32, #tpu.memory_space<vmem>>
      %dma_start3A_210 = tpu.memref_squeeze %dma_start3A_209 : memref<1x640x64xf32, #tpu.memory_space<vmem>> -> memref<640x64xf32, #tpu.memory_space<vmem>>
      tpu.enqueue_dma source(%dma_start3A_210 : memref<640x64xf32, #tpu.memory_space<vmem>>) target(%dma_start3A_206 : memref<640x64xf32, #tpu.memory_space<hbm>>) target_semaphore(%arg9 : memref<!tpu.dma_semaphore, #tpu.memory_space<semaphore_mem>>)
      %add3A_211 = arith.constant 1 : i32
      %add3A_212 = arith.addi %add3A_101, %add3A_211 : i32
      %mul3A_213 = arith.constant 5 : i32
      %mul3A_214 = arith.muli %add3A_212, %mul3A_213 : i32
      %add3A_215 = arith.constant 0 : i32
      %add3A_216 = arith.addi %mul3A_214, %add3A_215 : i32
      %dma_start3A_217 = arith.constant 1 : i32
      %dma_start3A_218 = arith.constant 0 : i32
      %dma_start3A_219 = arith.constant 0 : i32
      %dma_start3A_220 = tpu.memref_slice %arg6[%dma_start3A_217, %dma_start3A_218, %dma_start3A_219] : memref<2x640x64xf32, #tpu.memory_space<vmem>> -> memref<1x640x64xf32, #tpu.memory_space<vmem>>
      %dma_start3A_221 = tpu.memref_squeeze %dma_start3A_220 : memref<1x640x64xf32, #tpu.memory_space<vmem>> -> memref<640x64xf32, #tpu.memory_space<vmem>>
      %dma_start3A_222 = arith.constant 0 : i32
      %dma_start3A_223 = arith.constant 0 : i32
      %dma_start3A_224 = tpu.memref_slice %dma_start3A_221[%dma_start3A_222, %dma_start3A_223] : memref<640x64xf32, #tpu.memory_space<vmem>> -> memref<128x64xf32, #tpu.memory_space<vmem>>
      %dma_start3A_225 = arith.constant 0 : i32
      %dma_start3A_226 = tpu.memref_slice %arg5[%add3A_216, %dma_start3A_225] : memref<50x128xi32, #tpu.memory_space<vmem>> -> memref<1x128xi32, #tpu.memory_space<vmem>>
      %dma_start3A_227 = tpu.memref_squeeze %dma_start3A_226 : memref<1x128xi32, #tpu.memory_space<vmem>> -> memref<128xi32, #tpu.memory_space<vmem>>
      %dma_start3A_228 = arith.constant 0 : i32
      %dma_start3A_229 = arith.constant 0 : i32
      %dma_start3A_230 = tpu.memref_slice %arg3[%dma_start3A_228, %dma_start3A_229] : memref<1000000x64xf32, #tpu.memory_space<hbm>> -> memref<1000000x64xf32, #tpu.memory_space<hbm>>
      tpu.enqueue_indirect_dma source(%dma_start3A_230 : memref<1000000x64xf32, #tpu.memory_space<hbm>>) target(%dma_start3A_224 : memref<128x64xf32, #tpu.memory_space<vmem>>) offsets(%dma_start3A_227 : memref<128xi32, #tpu.memory_space<vmem>>) semaphore(%arg8 : memref<!tpu.dma_semaphore, #tpu.memory_space<semaphore_mem>>)
      %mul3A_231 = arith.constant 5 : i32
      %mul3A_232 = arith.muli %add3A_212, %mul3A_231 : i32
      %add3A_233 = arith.constant 1 : i32
      %add3A_234 = arith.addi %mul3A_232, %add3A_233 : i32
      %dma_start3A_235 = arith.constant 1 : i32
      %dma_start3A_236 = arith.constant 0 : i32
      %dma_start3A_237 = arith.constant 0 : i32
      %dma_start3A_238 = tpu.memref_slice %arg6[%dma_start3A_235, %dma_start3A_236, %dma_start3A_237] : memref<2x640x64xf32, #tpu.memory_space<vmem>> -> memref<1x640x64xf32, #tpu.memory_space<vmem>>
      %dma_start3A_239 = tpu.memref_squeeze %dma_start3A_238 : memref<1x640x64xf32, #tpu.memory_space<vmem>> -> memref<640x64xf32, #tpu.memory_space<vmem>>
      %dma_start3A_240 = arith.constant 128 : i32
      %dma_start3A_241 = arith.constant 0 : i32
      %dma_start3A_242 = tpu.memref_slice %dma_start3A_239[%dma_start3A_240, %dma_start3A_241] : memref<640x64xf32, #tpu.memory_space<vmem>> -> memref<128x64xf32, #tpu.memory_space<vmem>>
      %dma_start3A_243 = arith.constant 0 : i32
      %dma_start3A_244 = tpu.memref_slice %arg5[%add3A_234, %dma_start3A_243] : memref<50x128xi32, #tpu.memory_space<vmem>> -> memref<1x128xi32, #tpu.memory_space<vmem>>
      %dma_start3A_245 = tpu.memref_squeeze %dma_start3A_244 : memref<1x128xi32, #tpu.memory_space<vmem>> -> memref<128xi32, #tpu.memory_space<vmem>>
      %dma_start3A_246 = arith.constant 0 : i32
      %dma_start3A_247 = arith.constant 0 : i32
      %dma_start3A_248 = tpu.memref_slice %arg3[%dma_start3A_246, %dma_start3A_247] : memref<1000000x64xf32, #tpu.memory_space<hbm>> -> memref<1000000x64xf32, #tpu.memory_space<hbm>>
      tpu.enqueue_indirect_dma source(%dma_start3A_248 : memref<1000000x64xf32, #tpu.memory_space<hbm>>) target(%dma_start3A_242 : memref<128x64xf32, #tpu.memory_space<vmem>>) offsets(%dma_start3A_245 : memref<128xi32, #tpu.memory_space<vmem>>) semaphore(%arg8 : memref<!tpu.dma_semaphore, #tpu.memory_space<semaphore_mem>>)
      %mul3A_249 = arith.constant 5 : i32
      %mul3A_250 = arith.muli %add3A_212, %mul3A_249 : i32
      %add3A_251 = arith.constant 2 : i32
      %add3A_252 = arith.addi %mul3A_250, %add3A_251 : i32
      %dma_start3A_253 = arith.constant 1 : i32
      %dma_start3A_254 = arith.constant 0 : i32
      %dma_start3A_255 = arith.constant 0 : i32
      %dma_start3A_256 = tpu.memref_slice %arg6[%dma_start3A_253, %dma_start3A_254, %dma_start3A_255] : memref<2x640x64xf32, #tpu.memory_space<vmem>> -> memref<1x640x64xf32, #tpu.memory_space<vmem>>
      %dma_start3A_257 = tpu.memref_squeeze %dma_start3A_256 : memref<1x640x64xf32, #tpu.memory_space<vmem>> -> memref<640x64xf32, #tpu.memory_space<vmem>>
      %dma_start3A_258 = arith.constant 256 : i32
      %dma_start3A_259 = arith.constant 0 : i32
      %dma_start3A_260 = tpu.memref_slice %dma_start3A_257[%dma_start3A_258, %dma_start3A_259] : memref<640x64xf32, #tpu.memory_space<vmem>> -> memref<128x64xf32, #tpu.memory_space<vmem>>
      %dma_start3A_261 = arith.constant 0 : i32
      %dma_start3A_262 = tpu.memref_slice %arg5[%add3A_252, %dma_start3A_261] : memref<50x128xi32, #tpu.memory_space<vmem>> -> memref<1x128xi32, #tpu.memory_space<vmem>>
      %dma_start3A_263 = tpu.memref_squeeze %dma_start3A_262 : memref<1x128xi32, #tpu.memory_space<vmem>> -> memref<128xi32, #tpu.memory_space<vmem>>
      %dma_start3A_264 = arith.constant 0 : i32
      %dma_start3A_265 = arith.constant 0 : i32
      %dma_start3A_266 = tpu.memref_slice %arg3[%dma_start3A_264, %dma_start3A_265] : memref<1000000x64xf32, #tpu.memory_space<hbm>> -> memref<1000000x64xf32, #tpu.memory_space<hbm>>
      tpu.enqueue_indirect_dma source(%dma_start3A_266 : memref<1000000x64xf32, #tpu.memory_space<hbm>>) target(%dma_start3A_260 : memref<128x64xf32, #tpu.memory_space<vmem>>) offsets(%dma_start3A_263 : memref<128xi32, #tpu.memory_space<vmem>>) semaphore(%arg8 : memref<!tpu.dma_semaphore, #tpu.memory_space<semaphore_mem>>)
      %mul3A_267 = arith.constant 5 : i32
      %mul3A_268 = arith.muli %add3A_212, %mul3A_267 : i32
      %add3A_269 = arith.constant 3 : i32
      %add3A_270 = arith.addi %mul3A_268, %add3A_269 : i32
      %dma_start3A_271 = arith.constant 1 : i32
      %dma_start3A_272 = arith.constant 0 : i32
      %dma_start3A_273 = arith.constant 0 : i32
      %dma_start3A_274 = tpu.memref_slice %arg6[%dma_start3A_271, %dma_start3A_272, %dma_start3A_273] : memref<2x640x64xf32, #tpu.memory_space<vmem>> -> memref<1x640x64xf32, #tpu.memory_space<vmem>>
      %dma_start3A_275 = tpu.memref_squeeze %dma_start3A_274 : memref<1x640x64xf32, #tpu.memory_space<vmem>> -> memref<640x64xf32, #tpu.memory_space<vmem>>
      %dma_start3A_276 = arith.constant 384 : i32
      %dma_start3A_277 = arith.constant 0 : i32
      %dma_start3A_278 = tpu.memref_slice %dma_start3A_275[%dma_start3A_276, %dma_start3A_277] : memref<640x64xf32, #tpu.memory_space<vmem>> -> memref<128x64xf32, #tpu.memory_space<vmem>>
      %dma_start3A_279 = arith.constant 0 : i32
      %dma_start3A_280 = tpu.memref_slice %arg5[%add3A_270, %dma_start3A_279] : memref<50x128xi32, #tpu.memory_space<vmem>> -> memref<1x128xi32, #tpu.memory_space<vmem>>
      %dma_start3A_281 = tpu.memref_squeeze %dma_start3A_280 : memref<1x128xi32, #tpu.memory_space<vmem>> -> memref<128xi32, #tpu.memory_space<vmem>>
      %dma_start3A_282 = arith.constant 0 : i32
      %dma_start3A_283 = arith.constant 0 : i32
      %dma_start3A_284 = tpu.memref_slice %arg3[%dma_start3A_282, %dma_start3A_283] : memref<1000000x64xf32, #tpu.memory_space<hbm>> -> memref<1000000x64xf32, #tpu.memory_space<hbm>>
      tpu.enqueue_indirect_dma source(%dma_start3A_284 : memref<1000000x64xf32, #tpu.memory_space<hbm>>) target(%dma_start3A_278 : memref<128x64xf32, #tpu.memory_space<vmem>>) offsets(%dma_start3A_281 : memref<128xi32, #tpu.memory_space<vmem>>) semaphore(%arg8 : memref<!tpu.dma_semaphore, #tpu.memory_space<semaphore_mem>>)
      %mul3A_285 = arith.constant 5 : i32
      %mul3A_286 = arith.muli %add3A_212, %mul3A_285 : i32
      %add3A_287 = arith.constant 4 : i32
      %add3A_288 = arith.addi %mul3A_286, %add3A_287 : i32
      %dma_start3A_289 = arith.constant 1 : i32
      %dma_start3A_290 = arith.constant 0 : i32
      %dma_start3A_291 = arith.constant 0 : i32
      %dma_start3A_292 = tpu.memref_slice %arg6[%dma_start3A_289, %dma_start3A_290, %dma_start3A_291] : memref<2x640x64xf32, #tpu.memory_space<vmem>> -> memref<1x640x64xf32, #tpu.memory_space<vmem>>
      %dma_start3A_293 = tpu.memref_squeeze %dma_start3A_292 : memref<1x640x64xf32, #tpu.memory_space<vmem>> -> memref<640x64xf32, #tpu.memory_space<vmem>>
      %dma_start3A_294 = arith.constant 512 : i32
      %dma_start3A_295 = arith.constant 0 : i32
      %dma_start3A_296 = tpu.memref_slice %dma_start3A_293[%dma_start3A_294, %dma_start3A_295] : memref<640x64xf32, #tpu.memory_space<vmem>> -> memref<128x64xf32, #tpu.memory_space<vmem>>
      %dma_start3A_297 = arith.constant 0 : i32
      %dma_start3A_298 = tpu.memref_slice %arg5[%add3A_288, %dma_start3A_297] : memref<50x128xi32, #tpu.memory_space<vmem>> -> memref<1x128xi32, #tpu.memory_space<vmem>>
      %dma_start3A_299 = tpu.memref_squeeze %dma_start3A_298 : memref<1x128xi32, #tpu.memory_space<vmem>> -> memref<128xi32, #tpu.memory_space<vmem>>
      %dma_start3A_300 = arith.constant 0 : i32
      %dma_start3A_301 = arith.constant 0 : i32
      %dma_start3A_302 = tpu.memref_slice %arg3[%dma_start3A_300, %dma_start3A_301] : memref<1000000x64xf32, #tpu.memory_space<hbm>> -> memref<1000000x64xf32, #tpu.memory_space<hbm>>
      tpu.enqueue_indirect_dma source(%dma_start3A_302 : memref<1000000x64xf32, #tpu.memory_space<hbm>>) target(%dma_start3A_296 : memref<128x64xf32, #tpu.memory_space<vmem>>) offsets(%dma_start3A_299 : memref<128xi32, #tpu.memory_space<vmem>>) semaphore(%arg8 : memref<!tpu.dma_semaphore, #tpu.memory_space<semaphore_mem>>)
      %add3A_303 = arith.constant 1 : i32
      %add3A_304 = arith.addi %add3A_99, %add3A_303 : i32
      %mul3A_305 = arith.constant 5 : i32
      %mul3A_306 = arith.muli %add3A_304, %mul3A_305 : i32
      %add3A_307 = arith.constant 0 : i32
      %add3A_308 = arith.addi %mul3A_306, %add3A_307 : i32
      %dma_wait3A_309 = arith.constant 1 : i32
      %dma_wait3A_310 = arith.constant 0 : i32
      %dma_wait3A_311 = arith.constant 0 : i32
      %dma_wait3A_312 = tpu.memref_slice %arg6[%dma_wait3A_309, %dma_wait3A_310, %dma_wait3A_311] : memref<2x640x64xf32, #tpu.memory_space<vmem>> -> memref<1x640x64xf32, #tpu.memory_space<vmem>>
      %dma_wait3A_313 = tpu.memref_squeeze %dma_wait3A_312 : memref<1x640x64xf32, #tpu.memory_space<vmem>> -> memref<640x64xf32, #tpu.memory_space<vmem>>
      %dma_wait3A_314 = arith.constant 0 : i32
      %dma_wait3A_315 = arith.constant 0 : i32
      %dma_wait3A_316 = tpu.memref_slice %dma_wait3A_313[%dma_wait3A_314, %dma_wait3A_315] : memref<640x64xf32, #tpu.memory_space<vmem>> -> memref<128x64xf32, #tpu.memory_space<vmem>>
      %dma_wait3A_317 = arith.constant 0 : i32
      %dma_wait3A_318 = tpu.memref_slice %arg5[%add3A_308, %dma_wait3A_317] : memref<50x128xi32, #tpu.memory_space<vmem>> -> memref<1x128xi32, #tpu.memory_space<vmem>>
      %dma_wait3A_319 = tpu.memref_squeeze %dma_wait3A_318 : memref<1x128xi32, #tpu.memory_space<vmem>> -> memref<128xi32, #tpu.memory_space<vmem>>
      %dma_wait3A_320 = arith.constant 0 : i32
      %dma_wait3A_321 = arith.constant 0 : i32
      %dma_wait3A_322 = tpu.memref_slice %arg3[%dma_wait3A_320, %dma_wait3A_321] : memref<1000000x64xf32, #tpu.memory_space<hbm>> -> memref<1000000x64xf32, #tpu.memory_space<hbm>>
      tpu.wait_indirect_dma semaphore(%arg8 : memref<!tpu.dma_semaphore, #tpu.memory_space<semaphore_mem>>) src(%dma_wait3A_322 : memref<1000000x64xf32, #tpu.memory_space<hbm>>) dst(%dma_wait3A_316 : memref<128x64xf32, #tpu.memory_space<vmem>>)
      %mul3A_323 = arith.constant 5 : i32
      %mul3A_324 = arith.muli %add3A_304, %mul3A_323 : i32
      %add3A_325 = arith.constant 1 : i32
      %add3A_326 = arith.addi %mul3A_324, %add3A_325 : i32
      %dma_wait3A_327 = arith.constant 1 : i32
      %dma_wait3A_328 = arith.constant 0 : i32
      %dma_wait3A_329 = arith.constant 0 : i32
      %dma_wait3A_330 = tpu.memref_slice %arg6[%dma_wait3A_327, %dma_wait3A_328, %dma_wait3A_329] : memref<2x640x64xf32, #tpu.memory_space<vmem>> -> memref<1x640x64xf32, #tpu.memory_space<vmem>>
      %dma_wait3A_331 = tpu.memref_squeeze %dma_wait3A_330 : memref<1x640x64xf32, #tpu.memory_space<vmem>> -> memref<640x64xf32, #tpu.memory_space<vmem>>
      %dma_wait3A_332 = arith.constant 128 : i32
      %dma_wait3A_333 = arith.constant 0 : i32
      %dma_wait3A_334 = tpu.memref_slice %dma_wait3A_331[%dma_wait3A_332, %dma_wait3A_333] : memref<640x64xf32, #tpu.memory_space<vmem>> -> memref<128x64xf32, #tpu.memory_space<vmem>>
      %dma_wait3A_335 = arith.constant 0 : i32
      %dma_wait3A_336 = tpu.memref_slice %arg5[%add3A_326, %dma_wait3A_335] : memref<50x128xi32, #tpu.memory_space<vmem>> -> memref<1x128xi32, #tpu.memory_space<vmem>>
      %dma_wait3A_337 = tpu.memref_squeeze %dma_wait3A_336 : memref<1x128xi32, #tpu.memory_space<vmem>> -> memref<128xi32, #tpu.memory_space<vmem>>
      %dma_wait3A_338 = arith.constant 0 : i32
      %dma_wait3A_339 = arith.constant 0 : i32
      %dma_wait3A_340 = tpu.memref_slice %arg3[%dma_wait3A_338, %dma_wait3A_339] : memref<1000000x64xf32, #tpu.memory_space<hbm>> -> memref<1000000x64xf32, #tpu.memory_space<hbm>>
      tpu.wait_indirect_dma semaphore(%arg8 : memref<!tpu.dma_semaphore, #tpu.memory_space<semaphore_mem>>) src(%dma_wait3A_340 : memref<1000000x64xf32, #tpu.memory_space<hbm>>) dst(%dma_wait3A_334 : memref<128x64xf32, #tpu.memory_space<vmem>>)
      %mul3A_341 = arith.constant 5 : i32
      %mul3A_342 = arith.muli %add3A_304, %mul3A_341 : i32
      %add3A_343 = arith.constant 2 : i32
      %add3A_344 = arith.addi %mul3A_342, %add3A_343 : i32
      %dma_wait3A_345 = arith.constant 1 : i32
      %dma_wait3A_346 = arith.constant 0 : i32
      %dma_wait3A_347 = arith.constant 0 : i32
      %dma_wait3A_348 = tpu.memref_slice %arg6[%dma_wait3A_345, %dma_wait3A_346, %dma_wait3A_347] : memref<2x640x64xf32, #tpu.memory_space<vmem>> -> memref<1x640x64xf32, #tpu.memory_space<vmem>>
      %dma_wait3A_349 = tpu.memref_squeeze %dma_wait3A_348 : memref<1x640x64xf32, #tpu.memory_space<vmem>> -> memref<640x64xf32, #tpu.memory_space<vmem>>
      %dma_wait3A_350 = arith.constant 256 : i32
      %dma_wait3A_351 = arith.constant 0 : i32
      %dma_wait3A_352 = tpu.memref_slice %dma_wait3A_349[%dma_wait3A_350, %dma_wait3A_351] : memref<640x64xf32, #tpu.memory_space<vmem>> -> memref<128x64xf32, #tpu.memory_space<vmem>>
      %dma_wait3A_353 = arith.constant 0 : i32
      %dma_wait3A_354 = tpu.memref_slice %arg5[%add3A_344, %dma_wait3A_353] : memref<50x128xi32, #tpu.memory_space<vmem>> -> memref<1x128xi32, #tpu.memory_space<vmem>>
      %dma_wait3A_355 = tpu.memref_squeeze %dma_wait3A_354 : memref<1x128xi32, #tpu.memory_space<vmem>> -> memref<128xi32, #tpu.memory_space<vmem>>
      %dma_wait3A_356 = arith.constant 0 : i32
      %dma_wait3A_357 = arith.constant 0 : i32
      %dma_wait3A_358 = tpu.memref_slice %arg3[%dma_wait3A_356, %dma_wait3A_357] : memref<1000000x64xf32, #tpu.memory_space<hbm>> -> memref<1000000x64xf32, #tpu.memory_space<hbm>>
      tpu.wait_indirect_dma semaphore(%arg8 : memref<!tpu.dma_semaphore, #tpu.memory_space<semaphore_mem>>) src(%dma_wait3A_358 : memref<1000000x64xf32, #tpu.memory_space<hbm>>) dst(%dma_wait3A_352 : memref<128x64xf32, #tpu.memory_space<vmem>>)
      %mul3A_359 = arith.constant 5 : i32
      %mul3A_360 = arith.muli %add3A_304, %mul3A_359 : i32
      %add3A_361 = arith.constant 3 : i32
      %add3A_362 = arith.addi %mul3A_360, %add3A_361 : i32
      %dma_wait3A_363 = arith.constant 1 : i32
      %dma_wait3A_364 = arith.constant 0 : i32
      %dma_wait3A_365 = arith.constant 0 : i32
      %dma_wait3A_366 = tpu.memref_slice %arg6[%dma_wait3A_363, %dma_wait3A_364, %dma_wait3A_365] : memref<2x640x64xf32, #tpu.memory_space<vmem>> -> memref<1x640x64xf32, #tpu.memory_space<vmem>>
      %dma_wait3A_367 = tpu.memref_squeeze %dma_wait3A_366 : memref<1x640x64xf32, #tpu.memory_space<vmem>> -> memref<640x64xf32, #tpu.memory_space<vmem>>
      %dma_wait3A_368 = arith.constant 384 : i32
      %dma_wait3A_369 = arith.constant 0 : i32
      %dma_wait3A_370 = tpu.memref_slice %dma_wait3A_367[%dma_wait3A_368, %dma_wait3A_369] : memref<640x64xf32, #tpu.memory_space<vmem>> -> memref<128x64xf32, #tpu.memory_space<vmem>>
      %dma_wait3A_371 = arith.constant 0 : i32
      %dma_wait3A_372 = tpu.memref_slice %arg5[%add3A_362, %dma_wait3A_371] : memref<50x128xi32, #tpu.memory_space<vmem>> -> memref<1x128xi32, #tpu.memory_space<vmem>>
      %dma_wait3A_373 = tpu.memref_squeeze %dma_wait3A_372 : memref<1x128xi32, #tpu.memory_space<vmem>> -> memref<128xi32, #tpu.memory_space<vmem>>
      %dma_wait3A_374 = arith.constant 0 : i32
      %dma_wait3A_375 = arith.constant 0 : i32
      %dma_wait3A_376 = tpu.memref_slice %arg3[%dma_wait3A_374, %dma_wait3A_375] : memref<1000000x64xf32, #tpu.memory_space<hbm>> -> memref<1000000x64xf32, #tpu.memory_space<hbm>>
      tpu.wait_indirect_dma semaphore(%arg8 : memref<!tpu.dma_semaphore, #tpu.memory_space<semaphore_mem>>) src(%dma_wait3A_376 : memref<1000000x64xf32, #tpu.memory_space<hbm>>) dst(%dma_wait3A_370 : memref<128x64xf32, #tpu.memory_space<vmem>>)
      %mul3A_377 = arith.constant 5 : i32
      %mul3A_378 = arith.muli %add3A_304, %mul3A_377 : i32
      %add3A_379 = arith.constant 4 : i32
      %add3A_380 = arith.addi %mul3A_378, %add3A_379 : i32
      %dma_wait3A_381 = arith.constant 1 : i32
      %dma_wait3A_382 = arith.constant 0 : i32
      %dma_wait3A_383 = arith.constant 0 : i32
      %dma_wait3A_384 = tpu.memref_slice %arg6[%dma_wait3A_381, %dma_wait3A_382, %dma_wait3A_383] : memref<2x640x64xf32, #tpu.memory_space<vmem>> -> memref<1x640x64xf32, #tpu.memory_space<vmem>>
      %dma_wait3A_385 = tpu.memref_squeeze %dma_wait3A_384 : memref<1x640x64xf32, #tpu.memory_space<vmem>> -> memref<640x64xf32, #tpu.memory_space<vmem>>
      %dma_wait3A_386 = arith.constant 512 : i32
      %dma_wait3A_387 = arith.constant 0 : i32
      %dma_wait3A_388 = tpu.memref_slice %dma_wait3A_385[%dma_wait3A_386, %dma_wait3A_387] : memref<640x64xf32, #tpu.memory_space<vmem>> -> memref<128x64xf32, #tpu.memory_space<vmem>>
      %dma_wait3A_389 = arith.constant 0 : i32
      %dma_wait3A_390 = tpu.memref_slice %arg5[%add3A_380, %dma_wait3A_389] : memref<50x128xi32, #tpu.memory_space<vmem>> -> memref<1x128xi32, #tpu.memory_space<vmem>>
      %dma_wait3A_391 = tpu.memref_squeeze %dma_wait3A_390 : memref<1x128xi32, #tpu.memory_space<vmem>> -> memref<128xi32, #tpu.memory_space<vmem>>
      %dma_wait3A_392 = arith.constant 0 : i32
      %dma_wait3A_393 = arith.constant 0 : i32
      %dma_wait3A_394 = tpu.memref_slice %arg3[%dma_wait3A_392, %dma_wait3A_393] : memref<1000000x64xf32, #tpu.memory_space<hbm>> -> memref<1000000x64xf32, #tpu.memory_space<hbm>>
      tpu.wait_indirect_dma semaphore(%arg8 : memref<!tpu.dma_semaphore, #tpu.memory_space<semaphore_mem>>) src(%dma_wait3A_394 : memref<1000000x64xf32, #tpu.memory_space<hbm>>) dst(%dma_wait3A_388 : memref<128x64xf32, #tpu.memory_space<vmem>>)
      %sub3A = arith.constant 1 : i32
      %sub3A_395 = arith.subi %add3A_304, %sub3A : i32
      %mul3A_396 = arith.constant 640 : i32
      %mul3A_397 = arith.muli %sub3A_395, %mul3A_396 : i32
      %add3A_398 = arith.addi %mul3A_2, %mul3A_397 : i32
      %multiple_of3A_399 = tpu.assume_multiple %add3A_398, 128 : i32
      %dma_wait3A_400 = arith.constant 0 : i32
      %dma_wait3A_401 = arith.constant 0 : i32
      %dma_wait3A_402 = arith.constant 0 : i32
      %dma_wait3A_403 = tpu.memref_slice %arg6[%dma_wait3A_400, %dma_wait3A_401, %dma_wait3A_402] : memref<2x640x64xf32, #tpu.memory_space<vmem>> -> memref<1x640x64xf32, #tpu.memory_space<vmem>>
      %dma_wait3A_404 = tpu.memref_squeeze %dma_wait3A_403 : memref<1x640x64xf32, #tpu.memory_space<vmem>> -> memref<640x64xf32, #tpu.memory_space<vmem>>
      %dma_wait3A_405 = arith.constant 0 : i32
      %dma_wait3A_406 = tpu.memref_slice %arg4[%multiple_of3A_399, %dma_wait3A_405] : memref<204800x64xf32, #tpu.memory_space<hbm>> -> memref<640x64xf32, #tpu.memory_space<hbm>>
      %dma_wait3A_407 = arith.constant 0 : i32
      %dma_wait3A_408 = tpu.memref_slice %arg4[%multiple_of3A_399, %dma_wait3A_407] : memref<204800x64xf32, #tpu.memory_space<hbm>> -> memref<640x64xf32, #tpu.memory_space<hbm>>
      %dma_wait3A_409 = arith.constant 0 : i32
      %dma_wait3A_410 = arith.constant 0 : i32
      %dma_wait3A_411 = tpu.memref_slice %arg6[%dma_wait3A_400, %dma_wait3A_409, %dma_wait3A_410] : memref<2x640x64xf32, #tpu.memory_space<vmem>> -> memref<1x640x64xf32, #tpu.memory_space<vmem>>
      %dma_wait3A_412 = tpu.memref_squeeze %dma_wait3A_411 : memref<1x640x64xf32, #tpu.memory_space<vmem>> -> memref<640x64xf32, #tpu.memory_space<vmem>>
      tpu.wait_dma2 semaphore(%arg9 : memref<!tpu.dma_semaphore, #tpu.memory_space<semaphore_mem>>) src(%dma_wait3A_412 : memref<640x64xf32, #tpu.memory_space<vmem>>) dst(%dma_wait3A_408 : memref<640x64xf32, #tpu.memory_space<hbm>>)
      %mul3A_413 = arith.constant 640 : i32
      %mul3A_414 = arith.muli %add3A_304, %mul3A_413 : i32
      %add3A_415 = arith.addi %mul3A_2, %mul3A_414 : i32
      %multiple_of3A_416 = tpu.assume_multiple %add3A_415, 128 : i32
      %dma_start3A_417 = arith.constant 1 : i32
      %dma_start3A_418 = arith.constant 0 : i32
      %dma_start3A_419 = arith.constant 0 : i32
      %dma_start3A_420 = tpu.memref_slice %arg6[%dma_start3A_417, %dma_start3A_418, %dma_start3A_419] : memref<2x640x64xf32, #tpu.memory_space<vmem>> -> memref<1x640x64xf32, #tpu.memory_space<vmem>>
      %dma_start3A_421 = tpu.memref_squeeze %dma_start3A_420 : memref<1x640x64xf32, #tpu.memory_space<vmem>> -> memref<640x64xf32, #tpu.memory_space<vmem>>
      %dma_start3A_422 = arith.constant 0 : i32
      %dma_start3A_423 = tpu.memref_slice %arg4[%multiple_of3A_416, %dma_start3A_422] : memref<204800x64xf32, #tpu.memory_space<hbm>> -> memref<640x64xf32, #tpu.memory_space<hbm>>
      %dma_start3A_424 = arith.constant 0 : i32
      %dma_start3A_425 = tpu.memref_slice %arg4[%multiple_of3A_416, %dma_start3A_424] : memref<204800x64xf32, #tpu.memory_space<hbm>> -> memref<640x64xf32, #tpu.memory_space<hbm>>
      %dma_start3A_426 = arith.constant 0 : i32
      %dma_start3A_427 = arith.constant 0 : i32
      %dma_start3A_428 = tpu.memref_slice %arg6[%dma_start3A_417, %dma_start3A_426, %dma_start3A_427] : memref<2x640x64xf32, #tpu.memory_space<vmem>> -> memref<1x640x64xf32, #tpu.memory_space<vmem>>
      %dma_start3A_429 = tpu.memref_squeeze %dma_start3A_428 : memref<1x640x64xf32, #tpu.memory_space<vmem>> -> memref<640x64xf32, #tpu.memory_space<vmem>>
      tpu.enqueue_dma source(%dma_start3A_429 : memref<640x64xf32, #tpu.memory_space<vmem>>) target(%dma_start3A_425 : memref<640x64xf32, #tpu.memory_space<hbm>>) target_semaphore(%arg10 : memref<!tpu.dma_semaphore, #tpu.memory_space<semaphore_mem>>)
      %add3A_430 = arith.constant 1 : i32
      %add3A_431 = arith.addi %add3A_304, %add3A_430 : i32
      %lt3A = arith.constant 10 : i32
      %lt3A_432 = arith.cmpi slt, %add3A_431, %lt3A : i32
      %convert_element_type3A_433 = arith.extui %lt3A_432 : i1 to i32
      %cond3A_434 = arith.constant 0 : i32
      %cond3A_435 = arith.cmpi ne, %convert_element_type3A_433, %cond3A_434 : i32
      scf.if %cond3A_435 {
        %add3A_436 = arith.constant 1 : i32
        %add3A_437 = arith.addi %add3A_304, %add3A_436 : i32
        %mul3A_438 = arith.constant 5 : i32
        %mul3A_439 = arith.muli %add3A_437, %mul3A_438 : i32
        %add3A_440 = arith.constant 0 : i32
        %add3A_441 = arith.addi %mul3A_439, %add3A_440 : i32
        %dma_start3A_442 = arith.constant 0 : i32
        %dma_start3A_443 = arith.constant 0 : i32
        %dma_start3A_444 = arith.constant 0 : i32
        %dma_start3A_445 = tpu.memref_slice %arg6[%dma_start3A_442, %dma_start3A_443, %dma_start3A_444] : memref<2x640x64xf32, #tpu.memory_space<vmem>> -> memref<1x640x64xf32, #tpu.memory_space<vmem>>
        %dma_start3A_446 = tpu.memref_squeeze %dma_start3A_445 : memref<1x640x64xf32, #tpu.memory_space<vmem>> -> memref<640x64xf32, #tpu.memory_space<vmem>>
        %dma_start3A_447 = arith.constant 0 : i32
        %dma_start3A_448 = arith.constant 0 : i32
        %dma_start3A_449 = tpu.memref_slice %dma_start3A_446[%dma_start3A_447, %dma_start3A_448] : memref<640x64xf32, #tpu.memory_space<vmem>> -> memref<128x64xf32, #tpu.memory_space<vmem>>
        %dma_start3A_450 = arith.constant 0 : i32
        %dma_start3A_451 = tpu.memref_slice %arg5[%add3A_441, %dma_start3A_450] : memref<50x128xi32, #tpu.memory_space<vmem>> -> memref<1x128xi32, #tpu.memory_space<vmem>>
        %dma_start3A_452 = tpu.memref_squeeze %dma_start3A_451 : memref<1x128xi32, #tpu.memory_space<vmem>> -> memref<128xi32, #tpu.memory_space<vmem>>
        %dma_start3A_453 = arith.constant 0 : i32
        %dma_start3A_454 = arith.constant 0 : i32
        %dma_start3A_455 = tpu.memref_slice %arg3[%dma_start3A_453, %dma_start3A_454] : memref<1000000x64xf32, #tpu.memory_space<hbm>> -> memref<1000000x64xf32, #tpu.memory_space<hbm>>
        tpu.enqueue_indirect_dma source(%dma_start3A_455 : memref<1000000x64xf32, #tpu.memory_space<hbm>>) target(%dma_start3A_449 : memref<128x64xf32, #tpu.memory_space<vmem>>) offsets(%dma_start3A_452 : memref<128xi32, #tpu.memory_space<vmem>>) semaphore(%arg7 : memref<!tpu.dma_semaphore, #tpu.memory_space<semaphore_mem>>)
        %mul3A_456 = arith.constant 5 : i32
        %mul3A_457 = arith.muli %add3A_437, %mul3A_456 : i32
        %add3A_458 = arith.constant 1 : i32
        %add3A_459 = arith.addi %mul3A_457, %add3A_458 : i32
        %dma_start3A_460 = arith.constant 0 : i32
        %dma_start3A_461 = arith.constant 0 : i32
        %dma_start3A_462 = arith.constant 0 : i32
        %dma_start3A_463 = tpu.memref_slice %arg6[%dma_start3A_460, %dma_start3A_461, %dma_start3A_462] : memref<2x640x64xf32, #tpu.memory_space<vmem>> -> memref<1x640x64xf32, #tpu.memory_space<vmem>>
        %dma_start3A_464 = tpu.memref_squeeze %dma_start3A_463 : memref<1x640x64xf32, #tpu.memory_space<vmem>> -> memref<640x64xf32, #tpu.memory_space<vmem>>
        %dma_start3A_465 = arith.constant 128 : i32
        %dma_start3A_466 = arith.constant 0 : i32
        %dma_start3A_467 = tpu.memref_slice %dma_start3A_464[%dma_start3A_465, %dma_start3A_466] : memref<640x64xf32, #tpu.memory_space<vmem>> -> memref<128x64xf32, #tpu.memory_space<vmem>>
        %dma_start3A_468 = arith.constant 0 : i32
        %dma_start3A_469 = tpu.memref_slice %arg5[%add3A_459, %dma_start3A_468] : memref<50x128xi32, #tpu.memory_space<vmem>> -> memref<1x128xi32, #tpu.memory_space<vmem>>
        %dma_start3A_470 = tpu.memref_squeeze %dma_start3A_469 : memref<1x128xi32, #tpu.memory_space<vmem>> -> memref<128xi32, #tpu.memory_space<vmem>>
        %dma_start3A_471 = arith.constant 0 : i32
        %dma_start3A_472 = arith.constant 0 : i32
        %dma_start3A_473 = tpu.memref_slice %arg3[%dma_start3A_471, %dma_start3A_472] : memref<1000000x64xf32, #tpu.memory_space<hbm>> -> memref<1000000x64xf32, #tpu.memory_space<hbm>>
        tpu.enqueue_indirect_dma source(%dma_start3A_473 : memref<1000000x64xf32, #tpu.memory_space<hbm>>) target(%dma_start3A_467 : memref<128x64xf32, #tpu.memory_space<vmem>>) offsets(%dma_start3A_470 : memref<128xi32, #tpu.memory_space<vmem>>) semaphore(%arg7 : memref<!tpu.dma_semaphore, #tpu.memory_space<semaphore_mem>>)
        %mul3A_474 = arith.constant 5 : i32
        %mul3A_475 = arith.muli %add3A_437, %mul3A_474 : i32
        %add3A_476 = arith.constant 2 : i32
        %add3A_477 = arith.addi %mul3A_475, %add3A_476 : i32
        %dma_start3A_478 = arith.constant 0 : i32
        %dma_start3A_479 = arith.constant 0 : i32
        %dma_start3A_480 = arith.constant 0 : i32
        %dma_start3A_481 = tpu.memref_slice %arg6[%dma_start3A_478, %dma_start3A_479, %dma_start3A_480] : memref<2x640x64xf32, #tpu.memory_space<vmem>> -> memref<1x640x64xf32, #tpu.memory_space<vmem>>
        %dma_start3A_482 = tpu.memref_squeeze %dma_start3A_481 : memref<1x640x64xf32, #tpu.memory_space<vmem>> -> memref<640x64xf32, #tpu.memory_space<vmem>>
        %dma_start3A_483 = arith.constant 256 : i32
        %dma_start3A_484 = arith.constant 0 : i32
        %dma_start3A_485 = tpu.memref_slice %dma_start3A_482[%dma_start3A_483, %dma_start3A_484] : memref<640x64xf32, #tpu.memory_space<vmem>> -> memref<128x64xf32, #tpu.memory_space<vmem>>
        %dma_start3A_486 = arith.constant 0 : i32
        %dma_start3A_487 = tpu.memref_slice %arg5[%add3A_477, %dma_start3A_486] : memref<50x128xi32, #tpu.memory_space<vmem>> -> memref<1x128xi32, #tpu.memory_space<vmem>>
        %dma_start3A_488 = tpu.memref_squeeze %dma_start3A_487 : memref<1x128xi32, #tpu.memory_space<vmem>> -> memref<128xi32, #tpu.memory_space<vmem>>
        %dma_start3A_489 = arith.constant 0 : i32
        %dma_start3A_490 = arith.constant 0 : i32
        %dma_start3A_491 = tpu.memref_slice %arg3[%dma_start3A_489, %dma_start3A_490] : memref<1000000x64xf32, #tpu.memory_space<hbm>> -> memref<1000000x64xf32, #tpu.memory_space<hbm>>
        tpu.enqueue_indirect_dma source(%dma_start3A_491 : memref<1000000x64xf32, #tpu.memory_space<hbm>>) target(%dma_start3A_485 : memref<128x64xf32, #tpu.memory_space<vmem>>) offsets(%dma_start3A_488 : memref<128xi32, #tpu.memory_space<vmem>>) semaphore(%arg7 : memref<!tpu.dma_semaphore, #tpu.memory_space<semaphore_mem>>)
        %mul3A_492 = arith.constant 5 : i32
        %mul3A_493 = arith.muli %add3A_437, %mul3A_492 : i32
        %add3A_494 = arith.constant 3 : i32
        %add3A_495 = arith.addi %mul3A_493, %add3A_494 : i32
        %dma_start3A_496 = arith.constant 0 : i32
        %dma_start3A_497 = arith.constant 0 : i32
        %dma_start3A_498 = arith.constant 0 : i32
        %dma_start3A_499 = tpu.memref_slice %arg6[%dma_start3A_496, %dma_start3A_497, %dma_start3A_498] : memref<2x640x64xf32, #tpu.memory_space<vmem>> -> memref<1x640x64xf32, #tpu.memory_space<vmem>>
        %dma_start3A_500 = tpu.memref_squeeze %dma_start3A_499 : memref<1x640x64xf32, #tpu.memory_space<vmem>> -> memref<640x64xf32, #tpu.memory_space<vmem>>
        %dma_start3A_501 = arith.constant 384 : i32
        %dma_start3A_502 = arith.constant 0 : i32
        %dma_start3A_503 = tpu.memref_slice %dma_start3A_500[%dma_start3A_501, %dma_start3A_502] : memref<640x64xf32, #tpu.memory_space<vmem>> -> memref<128x64xf32, #tpu.memory_space<vmem>>
        %dma_start3A_504 = arith.constant 0 : i32
        %dma_start3A_505 = tpu.memref_slice %arg5[%add3A_495, %dma_start3A_504] : memref<50x128xi32, #tpu.memory_space<vmem>> -> memref<1x128xi32, #tpu.memory_space<vmem>>
        %dma_start3A_506 = tpu.memref_squeeze %dma_start3A_505 : memref<1x128xi32, #tpu.memory_space<vmem>> -> memref<128xi32, #tpu.memory_space<vmem>>
        %dma_start3A_507 = arith.constant 0 : i32
        %dma_start3A_508 = arith.constant 0 : i32
        %dma_start3A_509 = tpu.memref_slice %arg3[%dma_start3A_507, %dma_start3A_508] : memref<1000000x64xf32, #tpu.memory_space<hbm>> -> memref<1000000x64xf32, #tpu.memory_space<hbm>>
        tpu.enqueue_indirect_dma source(%dma_start3A_509 : memref<1000000x64xf32, #tpu.memory_space<hbm>>) target(%dma_start3A_503 : memref<128x64xf32, #tpu.memory_space<vmem>>) offsets(%dma_start3A_506 : memref<128xi32, #tpu.memory_space<vmem>>) semaphore(%arg7 : memref<!tpu.dma_semaphore, #tpu.memory_space<semaphore_mem>>)
        %mul3A_510 = arith.constant 5 : i32
        %mul3A_511 = arith.muli %add3A_437, %mul3A_510 : i32
        %add3A_512 = arith.constant 4 : i32
        %add3A_513 = arith.addi %mul3A_511, %add3A_512 : i32
        %dma_start3A_514 = arith.constant 0 : i32
        %dma_start3A_515 = arith.constant 0 : i32
        %dma_start3A_516 = arith.constant 0 : i32
        %dma_start3A_517 = tpu.memref_slice %arg6[%dma_start3A_514, %dma_start3A_515, %dma_start3A_516] : memref<2x640x64xf32, #tpu.memory_space<vmem>> -> memref<1x640x64xf32, #tpu.memory_space<vmem>>
        %dma_start3A_518 = tpu.memref_squeeze %dma_start3A_517 : memref<1x640x64xf32, #tpu.memory_space<vmem>> -> memref<640x64xf32, #tpu.memory_space<vmem>>
        %dma_start3A_519 = arith.constant 512 : i32
        %dma_start3A_520 = arith.constant 0 : i32
        %dma_start3A_521 = tpu.memref_slice %dma_start3A_518[%dma_start3A_519, %dma_start3A_520] : memref<640x64xf32, #tpu.memory_space<vmem>> -> memref<128x64xf32, #tpu.memory_space<vmem>>
        %dma_start3A_522 = arith.constant 0 : i32
        %dma_start3A_523 = tpu.memref_slice %arg5[%add3A_513, %dma_start3A_522] : memref<50x128xi32, #tpu.memory_space<vmem>> -> memref<1x128xi32, #tpu.memory_space<vmem>>
        %dma_start3A_524 = tpu.memref_squeeze %dma_start3A_523 : memref<1x128xi32, #tpu.memory_space<vmem>> -> memref<128xi32, #tpu.memory_space<vmem>>
        %dma_start3A_525 = arith.constant 0 : i32
        %dma_start3A_526 = arith.constant 0 : i32
        %dma_start3A_527 = tpu.memref_slice %arg3[%dma_start3A_525, %dma_start3A_526] : memref<1000000x64xf32, #tpu.memory_space<hbm>> -> memref<1000000x64xf32, #tpu.memory_space<hbm>>
        tpu.enqueue_indirect_dma source(%dma_start3A_527 : memref<1000000x64xf32, #tpu.memory_space<hbm>>) target(%dma_start3A_521 : memref<128x64xf32, #tpu.memory_space<vmem>>) offsets(%dma_start3A_524 : memref<128xi32, #tpu.memory_space<vmem>>) semaphore(%arg7 : memref<!tpu.dma_semaphore, #tpu.memory_space<semaphore_mem>>)
      } else {
      }
    }
    %scan3A_80 = arith.constant 5 : i32
    %add3A_81 = arith.constant 5760 : i32
    %add3A_82 = arith.addi %mul3A_2, %add3A_81 : i32
    %multiple_of3A = tpu.assume_multiple %add3A_82, 128 : i32
    %dma_wait3A = arith.constant 1 : i32
    %dma_wait3A_83 = arith.constant 0 : i32
    %dma_wait3A_84 = arith.constant 0 : i32
    %dma_wait3A_85 = tpu.memref_slice %arg6[%dma_wait3A, %dma_wait3A_83, %dma_wait3A_84] : memref<2x640x64xf32, #tpu.memory_space<vmem>> -> memref<1x640x64xf32, #tpu.memory_space<vmem>>
    %dma_wait3A_86 = tpu.memref_squeeze %dma_wait3A_85 : memref<1x640x64xf32, #tpu.memory_space<vmem>> -> memref<640x64xf32, #tpu.memory_space<vmem>>
    %dma_wait3A_87 = arith.constant 0 : i32
    %dma_wait3A_88 = tpu.memref_slice %arg4[%multiple_of3A, %dma_wait3A_87] : memref<204800x64xf32, #tpu.memory_space<hbm>> -> memref<640x64xf32, #tpu.memory_space<hbm>>
    %dma_wait3A_89 = arith.constant 0 : i32
    %dma_wait3A_90 = tpu.memref_slice %arg4[%multiple_of3A, %dma_wait3A_89] : memref<204800x64xf32, #tpu.memory_space<hbm>> -> memref<640x64xf32, #tpu.memory_space<hbm>>
    %dma_wait3A_91 = arith.constant 0 : i32
    %dma_wait3A_92 = arith.constant 0 : i32
    %dma_wait3A_93 = tpu.memref_slice %arg6[%dma_wait3A, %dma_wait3A_91, %dma_wait3A_92] : memref<2x640x64xf32, #tpu.memory_space<vmem>> -> memref<1x640x64xf32, #tpu.memory_space<vmem>>
    %dma_wait3A_94 = tpu.memref_squeeze %dma_wait3A_93 : memref<1x640x64xf32, #tpu.memory_space<vmem>> -> memref<640x64xf32, #tpu.memory_space<vmem>>
    tpu.wait_dma2 semaphore(%arg10 : memref<!tpu.dma_semaphore, #tpu.memory_space<semaphore_mem>>) src(%dma_wait3A_94 : memref<640x64xf32, #tpu.memory_space<vmem>>) dst(%dma_wait3A_90 : memref<640x64xf32, #tpu.memory_space<hbm>>)
    return
  }
}

</mosaic_0001>

<sc_bundles>
// kernel: kernel.3.cloned.1.call-start
scs
__scs_entry_jumppad:
0x0: {  	(pc) =	sbr.rel $0x88, $3  }
0x1: {  	(tag) =	ssettag $0x0;
	lr =	simm.s32 $0x1  }
0x2: {  	[smem:$0x3F9F] =	sst lr;
	_ =	strace $0xD0000000  }
0x3: {  	_ = 	snop  }
0x4: {  	_ = 	snop  }
0x5: {  	_ = 	snop  }
0x6: {  	_ = 	snop  }
0x7: {  	_ = 	snop  }
__scs_overlays_trampoline_lowered:
0x8: {  	[smem:$0x3FAE] =	sst s0  }
0x9: {  	[smem:$0x3FAF] =	sst s1  }
0xa: {  	[smem:$0x3FB0] =	sst s2  }
0xb: {  	[smem:$0x3FB1] =	sst s3  }
0xc: {  	[smem:$0x3FB2] =	sst s4  }
0xd: {  	[smem:$0x3FB3] =	sst s5  }
0xe: {  	[smem:$0x3FB4] =	sst s6  }
0xf: {  	[smem:$0x3FB5] =	sst s7  }
0x10: {  	[smem:$0x3FB6] =	sst s8  }
0x11: {  	[smem:$0x3FB7] =	sst s9;
	s0 =	simm.s32 @!p0 $0x0  }
0x12: {  	s1 =	sld [smem:$0x3F9D];
	s0 =	simm.s32 @p0 $0x1  }
0x13: {  	[smem:$0x3FB8] =	sst s0;
	s0 =	simm.s32 @!p1 $0x0  }
0x14: {  	s2 =	sld [smem:$0x3F9C];
	s0 =	simm.s32 @p1 $0x1  }
0x15: {  	[smem:$0x3FB9] =	sst s0;
	s0 =	simm.s32 @!p2 $0x0  }
0x16: {  	s3 =	sld [smem:$0x3FDB];
	s0 =	simm.s32 @p2 $0x1  }
0x17: {  	s4 =	simm.s32 $0x1BF5;
	[smem:$0x3FBB] =	sst s0  }
0x18: {  	s0 =	sld [smem:$0x3F9E];
	_ =	swait.ge [sflag:s4], $0x0  }
0x19: {  	s7 =	sld [smem:$0x3F9F]  }
0x1a: {  	s8 =	sadd.s32 $0xFFFFE003, lr  }
0x1b: {  	s9 =	sadd.s32 $0xFFFFFEF7, lr;
	s5 =	simm.s32 $0xFFFFFFFF;
	p2 =	slt.u32 s8, $0xFFFFF086  }
0x1c: {  	p1 =	slt.u32 s9, $0xF7A;
	s5 =	simm.s32 @!p2 $0x0  }
0x1d: {  	s5 =	simm.s32 @p1 $0x1;
	p0 =	seq.s32 s7, s2  }
0x1e: {  	s7 =	smul.u32 @!p0 $0xF7A, s2;
	p2 =	seq.s32 @!p0 s5, $0x0  }
0x1f: {  	s9 =	smul.u32 $0xF7A, s1;
	s8 =	simm.s32 @!p0 $0x1BF5;
	p2 =	por !p2, p0  }
0x20: {  	[sflag:s8] =	ssyncset.s32 @!p0 $0xFFFFF086;
	s6 =	sadd.s32 @!p0 s3, s7;
	s7 =	simm.s32 @!p0 $0x108  }
0x21: {  	s3 =	sadd.s32 s3, s9;
	s6 =	sadd.s32 @!p0 $0x88, s6;
	s7 =	simm.s32 @p2 $0x1082  }
0x22: {  	[simem:s7], [sflag:s8] =	dma.local @!p0 [hbm:s6], $0xF7A  }
0x23: {  	s9 =	sor.u32 $0xD0000000, s2;
	s6 =	simm.s32 $0x108;
	_ =	swait.ge @!p0 [sflag:s8], $0x0  }
0x24: {  	s3 =	sadd.s32 $0x88, s3;
	s6 =	simm.s32 @!p1 $0x1082;
	[sflag:s4] =	ssyncset.s32 $0xFFFFF086  }
0x25: {  	[simem:s6], [sflag:s4] =	dma.local [hbm:s3], $0xF7A  }
0x26: {  	[smem:$0x3F9F] =	sst s1;
	(tag) =	ssettag s2;
	_ =	strace s9  }
0x27: {  	s1 =	sld [smem:$0x3FAF]  }
0x28: {  	s2 =	sld [smem:$0x3FB0]  }
0x29: {  	s4 =	sld [smem:$0x3FB2]  }
0x2a: {  	p0 =	seq.s32 s5, $0x0;
	s5 =	sld [smem:$0x3FB3]  }
0x2b: {  	s6 =	sld [smem:$0x3FB4]  }
0x2c: {  	s7 =	sld [smem:$0x3FB5]  }
0x2d: {  	s3 =	simm.s32 $0x108;
	s8 =	sld [smem:$0x3FB6]  }
0x2e: {  	s3 =	simm.s32 @!p0 $0x1082;
	s9 =	sld [smem:$0x3FB7]  }
0x2f: {  	lr =	sadd.s32 s0, s3;
	s0 =	sld [smem:$0x3FAE]  }
0x30: {  	s3 =	sld [smem:$0x3FB1]  }
0x31: {  	[smem:$0x3FBA] =	sst s10  }
0x32: {  	s10 =	sld [smem:$0x3FB8];
	_ =	sdelay $0x3  }
0x33: {  	p0 =	seq.s32 s10, $0x1;
	s10 =	sld [smem:$0x3FBA];
	_ =	sdelay $0x3  }
0x34: {  	[smem:$0x3FBA] =	sst s10  }
0x35: {  	s10 =	sld [smem:$0x3FB9];
	_ =	sdelay $0x3  }
0x36: {  	p1 =	seq.s32 s10, $0x1;
	s10 =	sld [smem:$0x3FBA];
	_ =	sdelay $0x3  }
0x37: {  	[smem:$0x3FBA] =	sst s10  }
0x38: {  	s10 =	sld [smem:$0x3FBB]  }
0x39: {  	_ = 	snop;
	(pc) =	sbr.ind lr, $3  }
0x3a: {  	_ = 	snop  }
0x3b: {  	_ = 	snop  }
0x3c: {  	p2 =	seq.s32 s10, $0x1;
	s10 =	sld [smem:$0x3FBA]  }
0x3d: {  	_ =	shalt  }
0x3e: {  	_ =	shalt  }
0x3f: {  	_ =	shalt  }
0x40: {  	_ =	shalt  }
0x41: {  	_ =	shalt  }
0x42: {  	_ =	shalt  }
0x43: {  	_ =	shalt  }
0x44: {  	_ =	shalt  }
0x45: {  	_ =	shalt  }
0x46: {  	_ =	shalt  }
0x47: {  	_ =	shalt  }
0x48: {  	_ =	shalt  }
0x49: {  	_ =	shalt  }
0x4a: {  	_ =	shalt  }
0x4b: {  	_ =	shalt  }
0x4c: {  	_ =	shalt  }
0x4d: {  	_ =	shalt  }
0x4e: {  	_ =	shalt  }
0x4f: {  	_ =	shalt  }
0x50: {  	_ =	shalt  }
0x51: {  	_ =	shalt  }
0x52: {  	_ =	shalt  }
0x53: {  	_ =	shalt  }
0x54: {  	_ =	shalt  }
0x55: {  	_ =	shalt  }
0x56: {  	_ =	shalt  }
0x57: {  	_ =	shalt  }
0x58: {  	_ =	shalt  }
0x59: {  	_ =	shalt  }
0x5a: {  	_ =	shalt  }
0x5b: {  	_ =	shalt  }
0x5c: {  	_ =	shalt  }
0x5d: {  	_ =	shalt  }
0x5e: {  	_ =	shalt  }
0x5f: {  	_ =	shalt  }
0x60: {  	_ =	shalt  }
0x61: {  	_ =	shalt  }
0x62: {  	_ =	shalt  }
0x63: {  	_ =	shalt  }
0x64: {  	_ =	shalt  }
0x65: {  	_ =	shalt  }
0x66: {  	_ =	shalt  }
0x67: {  	_ =	shalt  }
0x68: {  	_ =	shalt  }
0x69: {  	_ =	shalt  }
0x6a: {  	_ =	shalt  }
0x6b: {  	_ =	shalt  }
0x6c: {  	_ =	shalt  }
0x6d: {  	_ =	shalt  }
0x6e: {  	_ =	shalt  }
0x6f: {  	_ =	shalt  }
0x70: {  	_ =	shalt  }
0x71: {  	_ =	shalt  }
0x72: {  	_ =	shalt  }
0x73: {  	_ =	shalt  }
0x74: {  	_ =	shalt  }
0x75: {  	_ =	shalt  }
0x76: {  	_ =	shalt  }
0x77: {  	_ =	shalt  }
0x78: {  	_ =	shalt  }
0x79: {  	_ =	shalt  }
0x7a: {  	_ =	shalt  }
0x7b: {  	_ =	shalt  }
0x7c: {  	_ =	shalt  }
0x7d: {  	_ =	shalt  }
0x7e: {  	_ =	shalt  }
0x7f: {  	_ =	shalt  }
0x80: {  	_ =	shalt  }
0x81: {  	_ =	shalt  }
0x82: {  	_ =	shalt  }
0x83: {  	_ =	shalt  }
0x84: {  	_ =	shalt  }
0x85: {  	_ =	shalt  }
0x86: {  	_ =	shalt  }
0x87: {  	_ =	shalt  }
.Lfunc_end0:
.L_simem_size_0:
called_computation.1_lowered:
.L_overlay_start_0:
0x88: {  	s2 =	sld [smem:$0x3FD9]  }
0x89: {  	s3 =	sld [smem:$0x3FFE];
	_ =	sdelay $0x1  }
0x8a: {  	s1 =	srdreg.scid  }
0x8b: {  	s0 =	sand.u32 $0x1, s1  }
0x8c: {  	s17 =	sshll.u32 s0, $0xA;
	s2 =	sadd.s32 s3, s2  }
0x8d: {  	s2 =	sadd.s32 s2, s17  }
0x8e: {  	[smem:$0x3FC6] =	sst s2  }
0x8f: {  	_ = 	snop  }
0x90: {  	s2 =	sld [smem:$0x3FD0];
	(tm) =	ssettm $0x1  }
0x91: {  	s18 =	sld [smem:$0x3FFB];
	_ =	sdelay $0x3  }
0x92: {  	_ =	strace s18  }
0x93: {  	s3 =	sld [smem:$0x3FFC];
	_ =	sdelay $0x3  }
0x94: {  	_ =	strace s3  }
0x95: {  	s3 =	sld [smem:$0x3FFD];
	_ =	sdelay $0x3  }
0x96: {  	_ =	strace s3  }
0x97: {  	_ =	strace $0x8FFFFFFF  }
0x98: {  	s19 =	sld [smem:$0x3FDB];
	_ =	sdelay $0x1  }
0x99: {  	s4 =	simm.s32 $_scs_section_size  }
0x9a: {  	s5 =	simm.s32 $_size__tile_overlayer_lowered;
	s6 =	simm.s32 $_tile_overlayer_lowered  }
0x9b: {  	s22 =	simm.s32 $0x1BFF;
	s21 =	sshll.u32 s6, $0x1;
	s3 =	sadd.s32 s4, s19  }
0x9c: {  	s7 =	simm.s32 $0x0;
	s20 =	sshll.u32 s5, $0x1;
	s5 =	sadd.s32 s21, s3  }
0x9d: {  	[timem:s7], [sflag:s22] =	dma.local [hbm:s5], s20  }
0x9e: {  	_ =	swait.ge [sflag:s22], s20  }
0x9f: {  	s4 =	ssub.s32 $0x0, s20;
	[sflag:s22] =	ssyncset.done $0x0  }
0xa0: {  	[sflag:s22] =	ssyncadd.s32 s4;
	_ =	sdelay $0x1  }
0xa1: {  	s23 =	simm.s32 $0x1B8B  }
0xa2: {  	_ =	swait.ge [sflag:s23], $0x1  }
0xa3: {  	[sflag:s23] =	ssyncset.done $0x0  }
0xa4: {  	s25 =	simm.s32 $0x1B8E;
	s24 =	sld [smem:$0x3FFE];
	[sflag:s23] =	ssyncadd.s32 $0xFFFFFFFF  }
0xa5: {  	s26 =	simm.s32 $execute0_lowered;
	[smem:$0x3FD2] =	sst s25  }
0xa6: {  	s5 =	sshll.u32 s26, $0x1;
	_ =	strace $0x80000046;
	[dreg:$0x1] =	wrdreg $0xFFFFFFFF  }
0xa7: {  	s28 =	simm.s32 $_size_execute0_lowered;
	s3 =	sadd.s32 s3, s5;
	[dreg:$0x0] =	wrdreg $0x0  }
0xa8: {  	s5 =	sshll.u32 s28, $0x1;
	[dreg:$0x2] =	wrdreg s3  }
0xa9: {  	[dreg:$0x3] =	wrdreg s5  }
0xaa: {  	[dreg:$0x4] =	wrdreg $0xC0  }
0xab: {  	_ =	task [dreg:s7], $0x5FFFF  }
0xac: {  	[dreg:$0x1] =	wrdreg $0xFFFFFFFF  }
0xad: {  	[dreg:$0x0] =	wrdreg $0x60  }
0xae: {  	[dreg:$0x2] =	wrdreg s24  }
0xaf: {  	[dreg:$0x3] =	wrdreg s2  }
0xb0: {  	[dreg:$0x4] =	wrdreg $0x9  }
0xb1: {  	_ =	task.clear_ibuf [dreg:s7], $0x5FFFF;
	_ =	strace $0x90000046  }
0xb2: {  	s29 =	simm.s32 $0x9;
	_ =	strace $0x80000048  }
0xb3: {  	_ =	swait.ge [sflag:s29], $0x1  }
0xb4: {  	[sflag:s29] =	ssyncadd.s32 $0xFFFFFFFF  }
0xb5: {  	_ =	strace $0x90000048  }
0xb6: {  	_ =	sfence  }
0xb7: {  	s30 =	sld [smem:$0x0];
	_ =	sdelay $0x2  }
0xb8: {  	s31 =	sshll.u32 s1, $0xD;
	s1 =	sshrl.u32 s1, $0x2  }
0xb9: {  	s3 =	sand.u32 $0x4000, s31;
	s1 =	sadd.s32 s1, s30  }
0xba: {  	s0 =	sor.u32 s3, s0;
	s1 =	sshll.u32 s1, $0x11  }
0xbb: {  	s0 =	sor.u32 s1, s0  }
0xbc: {  	s0 =	sadd.s32 $0x8F2B, s0  }
0xbd: {  	[sflag:s0] =	ssyncadd.remote.s32 $0x1  }
0xbe: {  	_ =	sfence.sel $0xFFFF  }
0xbf: {  	[dreg:$0x0] =	wrdreg $0xFFFFFFFF;
	(pc) =	sbr.abs _section_cstart, $3  }
0xc0: {  	[dreg:$0x1] =	wrdreg $0xFFFFFFFF  }
0xc1: {  	_ =	task.clear_ibuf [dreg:s7], $0x2FFFF;
	_ =	strace $0x9FFFFFFF  }
0xc2: {  	(tm) =	ssettm $0x7FFFFFFF  }
0xc3: {  	_ =	shalt  }
tec
execute0_lowered:
.L_overlay_start_1:
0x0: {  	(tag) =	ssettag $0x1  }
0x1: {  	s0 =	rddreg [dreg:$0x0];
	s1 =	srdreg.scid  }
0x2: {  	s11 =	stileid.u32;
	s7 =	rddreg [dreg:$0x1]  }
0x3: {  	s2 =	simm.s32 $0x0;
	s12 =	simm.s32 $0x1900;
	s13 =	simm.s32 $0x3900  }
0x4: {  	s15 =	simm.s32 $0x5900;
	s17 =	simm.s32 $0x7900;
	s19 =	simm.s32 $0x9900  }
0x5: {  	s29 =	simm.s32 $0x11900;
	s31 =	simm.s32 $0x13900;
	s5 =	smul.u32 $0x3200, s11  }
0x6: {  	s28 =	simm.s32 $0x0;
	s1 =	sand.u32 $0x1, s1;
	s23 =	smul.u32 $0x19000, s11  }
0x7: {  	s3 =	sshll.u32 s11, $0x1;
	[smem:$0x7FF] =	sst s2;
	s10 =	smul.u32 $0x1900, s1  }
0x8: {  	s3 =	sor.u32 s1, s3;
	s21 =	ssub.s32 $0x2, s1;
	s1 =	smul.u32 $0xC800, s1  }
0x9: {  	s11 =	simm.s32 $0x80;
	_ =	strace $0x80000047;
	s4 =	smul.u32 $0x1900, s3  }
0xa: {  	s6 =	smul.u32 $0xC800, s3;
	s9 =	sshrl.u32 s21, $0x1;
	s3 =	sadd.s32 $0xF42E00, s0  }
0xb: {  	s25 =	sadd.s32 s23, s7;
	s23 =	simm.s32 $0x700;
	s22 =	ssub.s32 s21, s9  }
0xc: {  	s24 =	sadd.s32 s10, s5;
	s10 =	simm.s32 $0x5;
	s20 =	sshrl.u32 s4, $0x3  }
0xd: {  	s5 =	smax.u32 s22, $0x1;
	s6 =	sadd.s32 s7, s6;
	s22 =	simm.s32 $0xB900  }
.Ltmp0:
0xe: {  	s8 =	sadd.s32 s20, s0;
	s0 =	sadd.s32 s1, s25;
	(pc) =	sbr.rel .LBB2_1-.Ltmp0, $4  }
0xf: {  	s20 =	simm.s32 $0x1;
	s1 =	simm.s32 $0x2;
	s25 =	simm.s32 $0x4  }
0x10: {  	s4 =	sadd.s32 $0xA00, s8;
	s8 =	sshll.u32 s24, $0x3;
	s14 =	sadd.s32 $0x2800, s0  }
0x11: {  	s24 =	simm.s32 $0xD900;
	s0 =	simm.s32 $0x3;
	s26 =	sadd.s32 s7, s8  }
0x12: {  	s7 =	sadd.s32 $0x1400, s6;
	s30 =	sadd.s32 $0x3C00, s26;
	s26 =	simm.s32 $0xF900  }
.LBB2_4:
0x13: {  	s28 =	sadd.s32 $0x1, s28  }
0x14: {  	p0 =	sne.s32 s28, s5  }
.Ltmp1:
0x15: {  	_ = 	snop;
	(pc) =	sbr.rel @!p0 .LBB2_5-.Ltmp1, $4  }
0x16: {  	_ = 	snop  }
0x17: {  	_ =	swait.ge [sflag:s25], $0xA000  }
0x18: {  	[sflag:s25] =	ssyncset.done $0x0  }
0x19: {  	[sflag:s25] =	ssyncadd.s32 $0xFFFF6000  }
.LBB2_1:
0x1a: {  	[tilespmem:s2], [sflag:$0x5] =	stream.linear.gather [hbm4b:s4+s2], $0x1900, $0x38;
	[tilespmem:$0x15900] =	vst v63  }
0x1b: {  	_ =	swait.ge [sflag:s10], $0x1900  }
0x1c: {  	[sflag:s10] =	ssyncset.done $0x0  }
0x1d: {  	[sflag:s10] =	ssyncadd.s32 $0xFFFFE700  }
0x1e: {  	[tilespmem:s12], [sflag:$0x1] =	stream.indirect.gather [hbm4b:s3+s11], $0x40, s2, s11, $0xb8;
	[tilespmem:$0x15900] =	vst v63  }
0x1f: {  	_ = 	snop  }
0x20: {  	[tilespmem:s13], [sflag:$0x1] =	stream.indirect.gather [hbm4b:s3+s11], $0x40, s11, s11, $0xb8;
	[tilespmem:$0x15900] =	vst v63  }
0x21: {  	s8 =	simm.s32 $0x100  }
0x22: {  	[tilespmem:s15], [sflag:$0x1] =	stream.indirect.gather [hbm4b:s3+s11], $0x40, s8, s11, $0xb8;
	[tilespmem:$0x15900] =	vst v63  }
0x23: {  	s16 =	simm.s32 $0x180  }
0x24: {  	[tilespmem:s17], [sflag:$0x1] =	stream.indirect.gather [hbm4b:s3+s11], $0x40, s16, s11, $0xb8;
	[tilespmem:$0x15900] =	vst v63  }
0x25: {  	s18 =	simm.s32 $0x200  }
0x26: {  	[tilespmem:s19], [sflag:$0x1] =	stream.indirect.gather [hbm4b:s3+s11], $0x40, s18, s11, $0xb8;
	[tilespmem:$0x15900] =	vst v63  }
0x27: {  	_ =	swait.ge [sflag:s20], $0x2000  }
0x28: {  	[sflag:s20] =	ssyncset.done $0x0  }
0x29: {  	[sflag:s20] =	ssyncadd.s32 $0xFFFFE000  }
0x2a: {  	_ =	swait.ge [sflag:s20], $0x2000  }
0x2b: {  	[sflag:s20] =	ssyncset.done $0x0  }
0x2c: {  	[sflag:s20] =	ssyncadd.s32 $0xFFFFE000  }
0x2d: {  	_ =	swait.ge [sflag:s20], $0x2000  }
0x2e: {  	[sflag:s20] =	ssyncset.done $0x0  }
0x2f: {  	[sflag:s20] =	ssyncadd.s32 $0xFFFFE000  }
0x30: {  	_ =	swait.ge [sflag:s20], $0x2000  }
0x31: {  	[sflag:s20] =	ssyncset.done $0x0  }
0x32: {  	[sflag:s20] =	ssyncadd.s32 $0xFFFFE000  }
0x33: {  	_ =	swait.ge [sflag:s20], $0x2000  }
0x34: {  	[sflag:s20] =	ssyncset.done $0x0  }
0x35: {  	[sflag:s20] =	ssyncadd.s32 $0xFFFFE000  }
0x36: {  	[hbm4b:s6+s2] =	stream.linear.scatter [tilespmem:s12], [sflag:$0x3], $0xA000, $0x38;
	[tilespmem:$0x15900] =	vst v63  }
0x37: {  	s21 =	simm.s32 $0x280  }
0x38: {  	[tilespmem:s22], [sflag:$0x2] =	stream.indirect.gather [hbm4b:s3+s11], $0x40, s21, s11, $0xb8;
	[tilespmem:$0x15900] =	vst v63  }
0x39: {  	s9 =	simm.s32 $0x300  }
0x3a: {  	[tilespmem:s24], [sflag:$0x2] =	stream.indirect.gather [hbm4b:s3+s11], $0x40, s9, s11, $0xb8;
	[tilespmem:$0x15900] =	vst v63  }
0x3b: {  	s16 =	simm.s32 $0x380  }
0x3c: {  	[tilespmem:s26], [sflag:$0x2] =	stream.indirect.gather [hbm4b:s3+s11], $0x40, s16, s11, $0xb8;
	[tilespmem:$0x15900] =	vst v63  }
0x3d: {  	s18 =	simm.s32 $0x400  }
0x3e: {  	[tilespmem:s29], [sflag:$0x2] =	stream.indirect.gather [hbm4b:s3+s11], $0x40, s18, s11, $0xb8;
	[tilespmem:$0x15900] =	vst v63  }
0x3f: {  	s21 =	simm.s32 $0x480  }
0x40: {  	[tilespmem:s31], [sflag:$0x2] =	stream.indirect.gather [hbm4b:s3+s11], $0x40, s21, s11, $0xb8;
	[tilespmem:$0x15900] =	vst v63  }
0x41: {  	_ =	swait.ge [sflag:s1], $0x2000  }
0x42: {  	[sflag:s1] =	ssyncset.done $0x0  }
0x43: {  	[sflag:s1] =	ssyncadd.s32 $0xFFFFE000  }
0x44: {  	_ =	swait.ge [sflag:s1], $0x2000  }
0x45: {  	[sflag:s1] =	ssyncset.done $0x0  }
0x46: {  	[sflag:s1] =	ssyncadd.s32 $0xFFFFE000  }
0x47: {  	_ =	swait.ge [sflag:s1], $0x2000  }
0x48: {  	[sflag:s1] =	ssyncset.done $0x0  }
0x49: {  	[sflag:s1] =	ssyncadd.s32 $0xFFFFE000  }
0x4a: {  	_ =	swait.ge [sflag:s1], $0x2000  }
0x4b: {  	[sflag:s1] =	ssyncset.done $0x0  }
0x4c: {  	[sflag:s1] =	ssyncadd.s32 $0xFFFFE000  }
0x4d: {  	_ =	swait.ge [sflag:s1], $0x2000  }
0x4e: {  	[sflag:s1] =	ssyncset.done $0x0  }
0x4f: {  	[sflag:s1] =	ssyncadd.s32 $0xFFFFE000  }
0x50: {  	_ =	swait.ge [sflag:s0], $0xA000  }
0x51: {  	[sflag:s0] =	ssyncset.done $0x0  }
0x52: {  	[sflag:s0] =	ssyncadd.s32 $0xFFFF6000  }
0x53: {  	[hbm4b:s7+s2] =	stream.linear.scatter [tilespmem:s22], [sflag:$0x4], $0xA000, $0x38;
	[tilespmem:$0x15900] =	vst v63  }
0x54: {  	s9 =	simm.s32 $0x500  }
0x55: {  	[tilespmem:s12], [sflag:$0x1] =	stream.indirect.gather [hbm4b:s3+s11], $0x40, s9, s11, $0xb8;
	[tilespmem:$0x15900] =	vst v63  }
0x56: {  	s16 =	simm.s32 $0x580  }
0x57: {  	[tilespmem:s13], [sflag:$0x1] =	stream.indirect.gather [hbm4b:s3+s11], $0x40, s16, s11, $0xb8;
	[tilespmem:$0x15900] =	vst v63  }
0x58: {  	s18 =	simm.s32 $0x600  }
0x59: {  	[tilespmem:s15], [sflag:$0x1] =	stream.indirect.gather [hbm4b:s3+s11], $0x40, s18, s11, $0xb8;
	[tilespmem:$0x15900] =	vst v63  }
0x5a: {  	s21 =	simm.s32 $0x680  }
0x5b: {  	[tilespmem:s17], [sflag:$0x1] =	stream.indirect.gather [hbm4b:s3+s11], $0x40, s21, s11, $0xb8;
	[tilespmem:$0x15900] =	vst v63  }
0x5c: {  	s8 =	smov.u32 s14;
	s9 =	smov.u32 s30;
	s16 =	simm.s32 $0x0  }
0x5d: {  	[tilespmem:s19], [sflag:$0x1] =	stream.indirect.gather [hbm4b:s3+s11], $0x40, s23, s11, $0xb8;
	[tilespmem:$0x15900] =	vst v63  }
.LBB2_2:
0x5e: {  	_ =	swait.ge [sflag:s20], $0x2000  }
0x5f: {  	[sflag:s20] =	ssyncset.done $0x0  }
0x60: {  	[sflag:s20] =	ssyncadd.s32 $0xFFFFE000  }
0x61: {  	_ =	swait.ge [sflag:s20], $0x2000  }
0x62: {  	[sflag:s20] =	ssyncset.done $0x0  }
0x63: {  	[sflag:s20] =	ssyncadd.s32 $0xFFFFE000  }
0x64: {  	_ =	swait.ge [sflag:s20], $0x2000  }
0x65: {  	[sflag:s20] =	ssyncset.done $0x0  }
0x66: {  	[sflag:s20] =	ssyncadd.s32 $0xFFFFE000  }
0x67: {  	_ =	swait.ge [sflag:s20], $0x2000  }
0x68: {  	[sflag:s20] =	ssyncset.done $0x0  }
0x69: {  	[sflag:s20] =	ssyncadd.s32 $0xFFFFE000  }
0x6a: {  	_ =	swait.ge [sflag:s20], $0x2000  }
0x6b: {  	[sflag:s20] =	ssyncset.done $0x0  }
0x6c: {  	[sflag:s20] =	ssyncadd.s32 $0xFFFFE000  }
0x6d: {  	_ =	swait.ge [sflag:s25], $0xA000  }
0x6e: {  	[sflag:s25] =	ssyncset.done $0x0  }
0x6f: {  	s18 =	sshra.s32 s16, $0x2;
	[sflag:s25] =	ssyncadd.s32 $0xFFFF6000  }
0x70: {  	[hbm4b:s8+s2] =	stream.linear.scatter [tilespmem:s12], [sflag:$0x3], $0xA000, $0x38;
	[tilespmem:$0x15900] =	vst v63  }
0x71: {  	s21 =	sadd.s32 $0x780, s18  }
0x72: {  	[tilespmem:s22], [sflag:$0x2] =	stream.indirect.gather [hbm4b:s3+s11], $0x40, s21, s11, $0xb8;
	[tilespmem:$0x15900] =	vst v63  }
0x73: {  	s21 =	sadd.s32 $0x800, s18  }
0x74: {  	[tilespmem:s24], [sflag:$0x2] =	stream.indirect.gather [hbm4b:s3+s11], $0x40, s21, s11, $0xb8;
	[tilespmem:$0x15900] =	vst v63  }
0x75: {  	s21 =	sadd.s32 $0x880, s18  }
0x76: {  	[tilespmem:s26], [sflag:$0x2] =	stream.indirect.gather [hbm4b:s3+s11], $0x40, s21, s11, $0xb8;
	[tilespmem:$0x15900] =	vst v63  }
0x77: {  	s21 =	sadd.s32 $0x900, s18  }
0x78: {  	[tilespmem:s29], [sflag:$0x2] =	stream.indirect.gather [hbm4b:s3+s11], $0x40, s21, s11, $0xb8;
	[tilespmem:$0x15900] =	vst v63  }
0x79: {  	s21 =	sadd.s32 $0x980, s18  }
0x7a: {  	[tilespmem:s31], [sflag:$0x2] =	stream.indirect.gather [hbm4b:s3+s11], $0x40, s21, s11, $0xb8;
	[tilespmem:$0x15900] =	vst v63  }
0x7b: {  	_ =	swait.ge [sflag:s1], $0x2000  }
0x7c: {  	[sflag:s1] =	ssyncset.done $0x0  }
0x7d: {  	[sflag:s1] =	ssyncadd.s32 $0xFFFFE000  }
0x7e: {  	_ =	swait.ge [sflag:s1], $0x2000  }
0x7f: {  	[sflag:s1] =	ssyncset.done $0x0  }
0x80: {  	[sflag:s1] =	ssyncadd.s32 $0xFFFFE000  }
0x81: {  	_ =	swait.ge [sflag:s1], $0x2000  }
0x82: {  	[sflag:s1] =	ssyncset.done $0x0  }
0x83: {  	[sflag:s1] =	ssyncadd.s32 $0xFFFFE000  }
0x84: {  	_ =	swait.ge [sflag:s1], $0x2000  }
0x85: {  	[sflag:s1] =	ssyncset.done $0x0  }
0x86: {  	[sflag:s1] =	ssyncadd.s32 $0xFFFFE000  }
0x87: {  	_ =	swait.ge [sflag:s1], $0x2000  }
0x88: {  	p0 =	seq.s32 s16, $0x3C00;
	[sflag:s1] =	ssyncset.done $0x0  }
.Ltmp2:
0x89: {  	[sflag:s1] =	ssyncadd.s32 $0xFFFFE000;
	(pc) =	sbr.rel @p0 .LBB2_4-.Ltmp2, $4  }
0x8a: {  	_ =	swait.ge [sflag:s0], $0xA000  }
0x8b: {  	[sflag:s0] =	ssyncset.done $0x0  }
0x8c: {  	[sflag:s0] =	ssyncadd.s32 $0xFFFF6000  }
0x8d: {  	[hbm4b:s9+s2] =	stream.linear.scatter [tilespmem:s22], [sflag:$0x4], $0xA000, $0x38;
	[tilespmem:$0x15900] =	vst v63  }
0x8e: {  	s21 =	sadd.s32 $0xA00, s18  }
0x8f: {  	[tilespmem:s12], [sflag:$0x1] =	stream.indirect.gather [hbm4b:s3+s11], $0x40, s21, s11, $0xb8;
	[tilespmem:$0x15900] =	vst v63  }
0x90: {  	s21 =	sadd.s32 $0xA80, s18  }
0x91: {  	[tilespmem:s13], [sflag:$0x1] =	stream.indirect.gather [hbm4b:s3+s11], $0x40, s21, s11, $0xb8;
	[tilespmem:$0x15900] =	vst v63  }
0x92: {  	s21 =	sadd.s32 $0xB00, s18  }
0x93: {  	[tilespmem:s15], [sflag:$0x1] =	stream.indirect.gather [hbm4b:s3+s11], $0x40, s21, s11, $0xb8;
	[tilespmem:$0x15900] =	vst v63  }
.Ltmp3:
0x94: {  	_ = 	snop;
	(pc) =	sbr.rel .LBB2_2-.Ltmp3, $4  }
0x95: {  	s16 =	sadd.s32 $0x1400, s16;
	s21 =	sadd.s32 $0xB80, s18  }
0x96: {  	[tilespmem:s17], [sflag:$0x1] =	stream.indirect.gather [hbm4b:s3+s11], $0x40, s21, s11, $0xb8;
	[tilespmem:$0x15900] =	vst v63  }
0x97: {  	s8 =	sadd.s32 $0x2800, s8;
	s9 =	sadd.s32 $0x2800, s9;
	s21 =	sadd.s32 $0xC00, s18  }
0x98: {  	[tilespmem:s19], [sflag:$0x1] =	stream.indirect.gather [hbm4b:s3+s11], $0x40, s21, s11, $0xb8;
	[tilespmem:$0x15900] =	vst v63  }
.LBB2_5:
0x99: {  	_ =	sfence.sel $0x180000  }
0x9a: {  	[bflag:$0x0] =	sbarrier.arrive $0xFFFF  }
0x9b: {  	_ =	strace $0x90000047  }
0x9c: {  	s0 =	stileid.u32;
	[bflag:$0x2] =	sbarrier.arrive $0xFFFF  }
0x9d: {  	p0 =	sne.s32 s0, $0x0;
	s0 =	rddreg [dreg:$0x2]  }
0x9e: {  	s0 =	sadd.s32 @!p0 $0x100000, s0  }
0x9f: {  	[sflag:s0] =	ssyncadd.tile.s32 @!p0 $0x1;
	_ =	shalt  }
.Lfunc_end2:
_tile_overlayer_lowered:
.L_overlay_start_2:
0xa0: {  	(tag) =	ssettag $0x2  }
0xa1: {  	s0 =	rddreg [dreg:$0x0];
	s2 =	stileid.u32  }
0xa2: {  	s1 =	rddreg [dreg:$0x1];
	p0 =	sne.s32 s2, $0x0  }
0xa3: {  	s3 =	rddreg [dreg:$0x2];
	[bflag:$0x3] =	sbarrier.arrive $0xFFFF;
	s2 =	simm.s32 @!p0 $0x1C05  }
0xa4: {  	[timem:s3], [sflag:s2] =	dma.local @!p0 [hbm:s0], s1  }
0xa5: {  	s0 =	simm.s32 @!p0 $0x5  }
0xa6: {  	_ =	swait.ge @!p0 [sflag:s0], s1  }
0xa7: {  	s1 =	ssub.s32 @!p0 $0x0, s1;
	[sflag:s0] =	ssyncset.done @!p0 $0x0  }
0xa8: {  	[sflag:s0] =	ssyncadd.s32 @!p0 s1  }
0xa9: {  	[bflag:$0x3] =	sbarrier.arrive $0xFFFF  }
0xaa: {  	_ =	shalt  }

// kernel: sparse-core-data-format-call.cloned.1.call-start
scs
called_computation_lowered:
.L_overlay_start_0:
0x0: {  	s2 =	sld [smem:$0x3FD9]  }
0x1: {  	s3 =	sld [smem:$0x3FFE];
	_ =	sdelay $0x1  }
0x2: {  	s1 =	srdreg.scid  }
0x3: {  	s0 =	sand.u32 $0x1, s1  }
0x4: {  	s18 =	sshll.u32 s0, $0xA;
	s2 =	sadd.s32 s3, s2  }
0x5: {  	s2 =	sadd.s32 s2, s18  }
0x6: {  	[smem:$0x3FC6] =	sst s2  }
0x7: {  	_ = 	snop  }
0x8: {  	s2 =	sld [smem:$0x3FD0];
	(tm) =	ssettm $0x1  }
0x9: {  	s19 =	sld [smem:$0x3FFB];
	_ =	sdelay $0x3  }
0xa: {  	_ =	strace s19  }
0xb: {  	s3 =	sld [smem:$0x3FFC];
	_ =	sdelay $0x3  }
0xc: {  	_ =	strace s3  }
0xd: {  	s3 =	sld [smem:$0x3FFD];
	_ =	sdelay $0x3  }
0xe: {  	_ =	strace s3  }
0xf: {  	_ =	strace $0x8FFFFFFF  }
0x10: {  	s20 =	sld [smem:$0x3FDB];
	_ =	sdelay $0x1  }
0x11: {  	s4 =	simm.s32 $_scs_section_size  }
0x12: {  	s5 =	simm.s32 $_size__tile_overlayer_lowered;
	s6 =	simm.s32 $_tile_overlayer_lowered  }
0x13: {  	s23 =	simm.s32 $0x1BFF;
	s22 =	sshll.u32 s6, $0x1;
	s3 =	sadd.s32 s4, s20  }
0x14: {  	s7 =	simm.s32 $0x0;
	s21 =	sshll.u32 s5, $0x1;
	s5 =	sadd.s32 s22, s3  }
0x15: {  	[timem:s7], [sflag:s23] =	dma.local [hbm:s5], s21  }
0x16: {  	_ =	swait.ge [sflag:s23], s21  }
0x17: {  	s4 =	ssub.s32 $0x0, s21;
	[sflag:s23] =	ssyncset.done $0x0  }
0x18: {  	[sflag:s23] =	ssyncadd.s32 s4;
	_ =	sdelay $0x1  }
0x19: {  	s24 =	simm.s32 $0x1B8B  }
0x1a: {  	_ =	swait.ge [sflag:s24], $0x1  }
0x1b: {  	[sflag:s24] =	ssyncset.done $0x0  }
0x1c: {  	s26 =	simm.s32 $0x1B8E;
	s25 =	sld [smem:$0x3FFE];
	[sflag:s24] =	ssyncadd.s32 $0xFFFFFFFF  }
0x1d: {  	s27 =	simm.s32 $execute0_lowered;
	[smem:$0x3FD2] =	sst s26  }
0x1e: {  	s5 =	sshll.u32 s27, $0x1;
	_ =	strace $0x80000049;
	[dreg:$0x1] =	wrdreg $0xFFFFFFFF  }
0x1f: {  	s28 =	simm.s32 $_size_execute0_lowered;
	s3 =	sadd.s32 s3, s5;
	[dreg:$0x0] =	wrdreg $0x0  }
0x20: {  	s5 =	sshll.u32 s28, $0x1;
	[dreg:$0x2] =	wrdreg s3  }
0x21: {  	[dreg:$0x3] =	wrdreg s5  }
0x22: {  	[dreg:$0x4] =	wrdreg $0xC0  }
0x23: {  	_ =	task [dreg:s7], $0x5FFFF  }
0x24: {  	[dreg:$0x1] =	wrdreg $0xFFFFFFFF  }
0x25: {  	[dreg:$0x0] =	wrdreg $0x60  }
0x26: {  	[dreg:$0x2] =	wrdreg s25  }
0x27: {  	[dreg:$0x3] =	wrdreg s2  }
0x28: {  	[dreg:$0x4] =	wrdreg $0x9  }
0x29: {  	_ =	task.clear_ibuf [dreg:s7], $0x5FFFF;
	_ =	strace $0x90000049  }
0x2a: {  	s29 =	simm.s32 $0x9;
	_ =	strace $0x8000004B  }
0x2b: {  	_ =	swait.ge [sflag:s29], $0x1  }
0x2c: {  	[sflag:s29] =	ssyncadd.s32 $0xFFFFFFFF  }
0x2d: {  	_ =	strace $0x9000004B  }
0x2e: {  	_ =	sfence  }
0x2f: {  	s30 =	sld [smem:$0x0];
	_ =	sdelay $0x2  }
0x30: {  	s31 =	sshll.u32 s1, $0xD;
	s1 =	sshrl.u32 s1, $0x2  }
0x31: {  	s3 =	sand.u32 $0x4000, s31;
	s1 =	sadd.s32 s1, s30  }
0x32: {  	s0 =	sor.u32 s3, s0;
	s1 =	sshll.u32 s1, $0x11  }
0x33: {  	s0 =	sor.u32 s1, s0  }
0x34: {  	s0 =	sadd.s32 $0x8F2B, s0  }
0x35: {  	[sflag:s0] =	ssyncadd.remote.s32 $0x1  }
0x36: {  	_ =	sfence.sel $0xFFFF  }
0x37: {  	[dreg:$0x0] =	wrdreg $0xFFFFFFFF;
	(pc) =	sbr.abs _section_cstart, $3  }
0x38: {  	[dreg:$0x1] =	wrdreg $0xFFFFFFFF  }
0x39: {  	_ =	task.clear_ibuf [dreg:s7], $0x2FFFF;
	_ =	strace $0x9FFFFFFF  }
0x3a: {  	(tm) =	ssettm $0x7FFFFFFF  }
0x3b: {  	_ =	shalt  }
tec
execute0_lowered:
.L_overlay_start_1:
0x0: {  	(tag) =	ssettag $0x1  }
0x1: {  	s0 =	srdreg.scid  }
0x2: {  	s1 =	sshll.u32 s0, $0x4  }
0x3: {  	s0 =	stileid.u32;
	s1 =	sand.u32 $0x10, s1  }
0x4: {  	s1 =	sor.u32 s0, s1  }
0x5: {  	s6 =	rddreg [dreg:$0x0];
	s4 =	simm.s32 $0x1;
	s2 =	sshll.u32 s1, $0x7  }
0x6: {  	s7 =	simm.s32 $0x2;
	s12 =	simm.s32 $0x0;
	s1 =	ssub.s32 $0x1000, s2  }
0x7: {  	s8 =	simm.s32 $0x8000;
	s13 =	simm.s32 $0x0;
	s3 =	sand.u32 $0xF80, s1  }
0x8: {  	s9 =	simm.s32 $0x0;
	s5 =	sshrl.u32 s1, $0xC;
	p0 =	sne.s32 s3, $0x0  }
.Ltmp0:
0x9: {  	s1 =	rddreg [dreg:$0x2];
	s4 =	simm.s32 @!p0 $0x0;
	(pc) =	sbr.rel .LBB1_1-.Ltmp0, $4  }
0xa: {  	s11 =	simm.s32 $0x0;
	s3 =	rddreg [dreg:$0x1];
	s5 =	sadd.s32 s4, s5  }
0xb: {  	_ =	strace $0x8000004A;
	s4 =	simm.s32 $0x1;
	s5 =	smul.u32 $0x32, s5  }
0xc: {  	s6 =	sadd.s32 $0xA00, s6;
	s10 =	smov.u32 s2;
	[sflag:s4] =	ssyncpa.u1 $0x0  }
0xd: {  	p0 =	por $0x0, $0x0;
	[sflag:s7] =	ssyncpa.u1 $0x0;
	s7 =	sor.u32 $0x1, s5  }
.LBB1_4:
0xe: {  	s16 =	sshll.u32 s13, $0x3;
	s17 =	sand.u32 $0x78, s13  }
0xf: {  	s30 =	sand.u32 $0x7E00, s13;
	s12 =	sshll.u32 s12, $0xF;
	s16 =	sand.u32 $0xC00, s16  }
0x10: {  	[tilespmem:s15+$0x810 ss:$0x81] =	vst.msk $0xffff, v2;
	s31 =	sand.u32 $0x7, s13;
	s16 =	sor.u32 s17, s16;
	s17 =	sadd.s32 s3, s30  }
0x11: {  	[tilespmem:s15+$0x1020 ss:$0x81] =	vst.msk $0xffff, v0;
	s13 =	sshll.u32 s31, $0x12;
	s12 =	sadd.s32 s12, s17;
	s16 =	sshrl.u32 s16, $0x3  }
0x12: {  	[tilespmem:s15+$0x0 ss:$0x81] =	vst.msk $0xffff, v1;
	s13 =	sor.u32 $0x400, s13;
	s12 =	sadd.s32 s16, s12  }
0x13: {  	[hbm4b:s12+s13] =	stream.strided.scatter [tilespmem:s14], [sflag:$0x2], $0x2000, s8, s13, $0x20;
	[tilespmem:$0x8080] =	vst v63  }
.LBB1_5:
0x14: {  	s14 =	sadd.s32 $0x1, s9  }
0x15: {  	s12 =	sadd.s32 $0x1000, s10;
	s16 =	smov.u32 s10;
	p2 =	sgt.s32 s14, $0x31  }
0x16: {  	s16 =	smov.u32 @p2 s12  }
0x17: {  	s14 =	simm.s32 @p2 $0x0;
	p2 =	sgt.s32 s16, $0xFFF  }
0x18: {  	s16 =	smov.u32 @p2 s2;
	p2 =	sne.s32 s11, s7  }
.Ltmp1:
0x19: {  	p1 =	slt.u32 s11, $0x2;
	(pc) =	sbr.rel @!p2 .LBB1_6-.Ltmp1, $4  }
0x1a: {  	s15 =	simm.s32 @!p1 $0x2  }
0x1b: {  	s13 =	smov.u32 s10;
	p0 =	por !p0, !p0;
	_ =	swait.ge @!p1 [sflag:s15], $0x2000  }
0x1c: {  	s12 =	smov.u32 s9;
	[sflag:s15] =	ssyncset.done @!p1 $0x0;
	s9 =	smov.u32 s14  }
0x1d: {  	s11 =	sadd.s32 $0x1, s11;
	[sflag:s15] =	ssyncadd.s32 @!p1 $0xFFFFE000;
	s10 =	smov.u32 s16  }
.LBB1_1:
0x1e: {  	p1 =	sge.u32 s11, s5  }
0x1f: {  	s14 =	sand.u32 @!p1 $0x1FFFFFF, s9  }
0x20: {  	s15 =	smulhi.u32 @!p1 $0x4924925, s14;
	_ =	sdelay $0x1  }
0x21: {  	s15 =	smul.u32 @!p1 $0x38, s15  }
0x22: {  	s16 =	sxor.u32 @!p1 $0xFFFFFFFF, s11;
	s17 =	smul.u32 @!p1 $0x380, s10  }
0x23: {  	s31 =	sadd.s32 $0xFFFFFFFF, s11;
	s16 =	sshll.u32 @!p1 s16, $0xD;
	s14 =	ssub.s32 @!p1 s14, s15  }
0x24: {  	s15 =	sand.u32 @!p1 $0x2000, s16;
	s16 =	sadd.s32 @!p1 s6, s17;
	s14 =	sshll.u32 @!p1 s14, $0x4  }
0x25: {  	s17 =	simm.s32 @!p1 $0x1C00;
	s14 =	sadd.s32 @!p1 s14, s16;
	s16 =	simm.s32 @!p1 $0x40  }
0x26: {  	[tilespmem:s15], [sflag:$0x1] =	stream.strided.gather @!p1 [hbm4b:s14+s16], $0x2000, s17, s16, $0x38;
	[tilespmem:$0x8080] =	vst v63  }
0x27: {  	p1 =	sge.u32 s31, s5  }
.Ltmp2:
0x28: {  	_ = 	snop;
	(pc) =	sbr.rel @p1 .LBB1_5-.Ltmp2, $1  }
0x29: {  	_ =	sdelay $0x3  }
0x2a: {  	s14 =	simm.s32 $0x1  }
0x2b: {  	_ =	swait.ge [sflag:s4], $0x2000;
	s14 =	simm.s32 @!p0 $0x0  }
0x2c: {  	[sflag:s4] =	ssyncset.done $0x0;
	s15 =	sshll.u32 s14, $0xD  }
0x2d: {  	[sflag:s4] =	ssyncadd.s32 $0xFFFFE000;
	s18 =	sor.u32 $0x20, s15  }
0x2e: {  	s14 =	smul.u32 $0x8100, s14;
	v3 =	vld [tilespmem:s18+$0x10]  }
0x2f: {  	s30 =	sand.u32 $0x1, s11;
	v2 =	vld [tilespmem:s18+$0xFFFFFFF0]  }
0x30: {  	s15 =	smul.u32 $0x8100, s30;
	s14 =	sshrl.u32 s14, $0x2;
	v0 =	vld [tilespmem:s18+$0x0]  }
0x31: {  	v1 =	vld [tilespmem:s18+$0xFFFFFFE0];
	s16 =	sor.u32 $0x4000, s14  }
0x32: {  	s31 =	sshrl.u32 s15, $0x2;
	s15 =	sadd.s32 $0x0, s16  }
0x33: {  	s17 =	simm.s32 $0x4;
	s18 =	sadd.s32 $0x40, s18;
	s14 =	sor.u32 $0x4000, s31;
	[tilespmem:s15+$0x1830 ss:$0x81] =	vst.msk $0xffff, v3  }
.LBB1_3:
0x34: {  	v3 =	vld [tilespmem:s18+$0x10];
	p1 =	sne.s32 s17, $0x1FC;
	[tilespmem:s15+$0x810 ss:$0x81] =	vst.msk $0xffff, v2;
	s19 =	smov.u32 s17;
	s17 =	sadd.s32 $0x4, s17  }
.Ltmp3:
0x35: {  	v2 =	vld [tilespmem:s18+$0xFFFFFFF0];
	[tilespmem:s15+$0x1020 ss:$0x81] =	vst.msk $0xffff, v0;
	(pc) =	sbr.rel @p1 .LBB1_3-.Ltmp3, $4  }
0x36: {  	v0 =	vld [tilespmem:s18+$0x0];
	[tilespmem:s15+$0x0 ss:$0x81] =	vst.msk $0xffff, v1  }
0x37: {  	s15 =	sshra.s32 s19, $0x2;
	v1 =	vld [tilespmem:s18+$0xFFFFFFE0]  }
0x38: {  	s15 =	sadd.s32 s15, s16  }
0x39: {  	s18 =	sadd.s32 $0x40, s18;
	[tilespmem:s15+$0x1830 ss:$0x81] =	vst.msk $0xffff, v3  }
.Ltmp4:
0x3a: {  	_ = 	snop;
	(pc) =	sbr.rel .LBB1_4-.Ltmp4, $1  }
0x3b: {  	_ =	sdelay $0x3  }
.LBB1_6:
0x3c: {  	_ =	sfence.sel $0x180000  }
0x3d: {  	s2 =	simm.s32 $0x1;
	[bflag:$0x0] =	sbarrier.arrive $0xFFFF  }
0x3e: {  	s31 =	simm.s32 $0x2;
	[sflag:s2] =	ssyncpa.u1 $0x1  }
0x3f: {  	[sflag:s31] =	ssyncpa.u1 $0x1  }
0x40: {  	p0 =	sne.s32 s0, $0x0;
	_ =	strace $0x9000004A  }
0x41: {  	s0 =	sadd.s32 @!p0 $0x100000, s1;
	[bflag:$0x2] =	sbarrier.arrive $0xFFFF  }
0x42: {  	[sflag:s0] =	ssyncadd.tile.s32 @!p0 $0x1;
	_ =	shalt  }
.Lfunc_end1:
_tile_overlayer_lowered:
.L_overlay_start_2:
0x43: {  	(tag) =	ssettag $0x2  }
0x44: {  	s0 =	rddreg [dreg:$0x0];
	s2 =	stileid.u32  }
0x45: {  	s1 =	rddreg [dreg:$0x1];
	p0 =	sne.s32 s2, $0x0  }
0x46: {  	s3 =	rddreg [dreg:$0x2];
	[bflag:$0x3] =	sbarrier.arrive $0xFFFF;
	s2 =	simm.s32 @!p0 $0x1C01  }
0x47: {  	[timem:s3], [sflag:s2] =	dma.local @!p0 [hbm:s0], s1  }
0x48: {  	s0 =	simm.s32 @!p0 $0x1  }
0x49: {  	_ =	swait.ge @!p0 [sflag:s0], s1  }
0x4a: {  	s1 =	ssub.s32 @!p0 $0x0, s1;
	[sflag:s0] =	ssyncset.done @!p0 $0x0  }
0x4b: {  	[sflag:s0] =	ssyncadd.s32 @!p0 s1  }
0x4c: {  	[bflag:$0x3] =	sbarrier.arrive $0xFFFF  }
0x4d: {  	_ =	shalt  }

</sc_bundles>
